<compile_context>
chip_gen: v7x
topology: tpu7x:2x2x1
jax: 0.10.2.dev20260603
libtpu: 0.0.44.dev20260713+nightly
codegen_flags: <defaults>
</compile_context>

<pallas_src>
import functools
import jax
import jax.numpy as jnp
from jax import lax
from jax.experimental import pallas as pl
from jax.experimental.pallas import tpu as pltpu
from jax.experimental.pallas import tpu_sc as plsc

RADIUS2 = 0.2 * 0.2
NS = 32
MBLK = 128
D = 128


def _sel_body(d2_ref, idx_ref, cnt_ref):
    d2 = d2_ref[0]
    N = d2.shape[1]
    within = d2 < RADIUS2
    rank = within.astype(jnp.float32)
    s = 1
    while s < N:
        rank = rank + jnp.concatenate(
            [jnp.zeros((MBLK, s), jnp.float32), rank[:, :N - s]], axis=1)
        s *= 2
    cnt = rank[:, N - 1:N]
    sel = within & (rank <= float(NS))
    iota_n = lax.broadcasted_iota(jnp.int32, (MBLK, N), 1).astype(jnp.float32)
    li32 = lax.broadcasted_iota(jnp.int32, (1, NS), 1)
    idx0 = jnp.sum(jnp.where(sel & (rank == 1.0), iota_n, 0.0),
                   axis=1, keepdims=True)

    def body(k, acc):
        kf = k.astype(jnp.float32)
        col = jnp.sum(jnp.where(sel & (rank == kf + 1.0), iota_n, 0.0),
                      axis=1, keepdims=True)
        col = jnp.where(cnt >= kf + 1.0, col, idx0)
        return jnp.where(li32 == k, col, acc)

    acc0 = jnp.zeros((MBLK, NS), jnp.float32)
    idx = lax.fori_loop(0, NS, body, acc0)
    b = pl.program_id(0)
    gid = idx + jnp.float32(N) * b.astype(jnp.float32)
    idx_ref[0] = gid.astype(jnp.int32)
    cnt_ref[0] = cnt


def _make_sc_gather(rows, d):
    info = plsc.get_sparse_core_info()
    NC, NSUB = info.num_cores, info.num_subcores
    NW = NC * NSUB
    b_per_w = rows // NW
    CH = 512
    mesh = plsc.VectorSubcoreMesh(core_axis_name="c", subcore_axis_name="s")

    @functools.partial(
        pl.kernel, mesh=mesh,
        out_type=jax.ShapeDtypeStruct((rows, d), jnp.float32),
        scratch_types=[
            pltpu.VMEM((CH,), jnp.int32),
            pltpu.VMEM((CH, d), jnp.float32),
            pltpu.SemaphoreType.DMA,
        ],
    )
    def gather_k(table_hbm, idx_hbm, out_hbm, idx_v, rows_v, sem):
        wid = lax.axis_index("s") * NC + lax.axis_index("c")
        base = wid * b_per_w
        for ci in range(b_per_w // CH):
            off = base + ci * CH
            pltpu.sync_copy(idx_hbm.at[pl.ds(off, CH)], idx_v)
            pltpu.async_copy(table_hbm.at[idx_v], rows_v, sem).wait()
            pltpu.sync_copy(rows_v, out_hbm.at[pl.ds(off, CH)])

    return gather_k


def _agg_body(g_ref, qf_ref, nq_ref, cnt_ref,
              WmlpT_ref, bmlp_ref, WqT_ref, bq_ref,
              Wax1T_ref, bax1_ref, wax2T_ref, bax2_ref,
              WafT_ref, baf_ref, WxT_ref, bx_ref,
              out_ref):
    HI = jax.lax.Precision.HIGHEST
    g = g_ref[...]
    S = g.shape[0]
    f = g[:, :64]
    gxyz = g[:, 64:67]
    qf = qf_ref[...]
    nq = nq_ref[...]
    cnt = cnt_ref[...]

    q = jax.nn.relu(jnp.dot(qf, WqT_ref[...], precision=HI) + bq_ref[...])

    def expand(x):
        return jnp.broadcast_to(x[:, None, :], (MBLK, NS, x.shape[1])
                                ).reshape(S, x.shape[1])

    qexp = expand(q)
    nqexp = expand(nq)
    gxd = gxyz - nqexp

    fd = jax.nn.relu(jnp.dot(qexp - f, WafT_ref[...], precision=HI)
                     + baf_ref[...])

    def dot3(lhs, rhs):
        return (lhs[:, 0:1] * rhs[0:1, :] + lhs[:, 1:2] * rhs[1:2, :]
                + lhs[:, 2:3] * rhs[2:3, :])

    h = jax.nn.relu(dot3(gxd, Wax1T_ref[...]) + bax1_ref[...])
    sd = jax.nn.relu(jnp.dot(h, wax2T_ref[...], precision=HI)
                     + bax2_ref[...])
    dd = jnp.sum(gxd * gxd, axis=1, keepdims=True)
    recip = 1.0 / (jnp.sqrt(dd) + 1e-8)
    P = jax.nn.relu(jnp.dot(f, WmlpT_ref[...], precision=HI) + bmlp_ref[...])

    alpha = recip * fd * sd
    num = jnp.sum((alpha * P).reshape(MBLK, NS, 128), axis=1)
    den = jnp.sum(recip.reshape(MBLK, NS, 1), axis=1)
    out_feat = jnp.where(cnt > 0.0, num / den, 0.0)

    X = jax.nn.relu(dot3(gxd, WxT_ref[...]) + bx_ref[...])
    umax = jnp.max(X.reshape(MBLK, NS, 32), axis=1)
    out_ref[...] = jnp.concatenate([umax, out_feat], axis=1)


@jax.jit
def kernel(xyz, new_xyz, features, query_features,
           W_mlp, b_mlp, Wq, bq, Wax1, bax1, Wax2, bax2, Waf, baf, Wx, bx):
    B, N, _ = xyz.shape
    M = new_xyz.shape[1]

    dist2 = (jnp.sum(new_xyz ** 2, axis=-1)[:, :, None]
             + jnp.sum(xyz ** 2, axis=-1)[:, None, :]
             - 2.0 * jnp.einsum('bmd,bnd->bmn', new_xyz, xyz))

    idx, cnt = pl.pallas_call(
        _sel_body,
        grid=(B, M // MBLK),
        in_specs=[pl.BlockSpec((1, MBLK, N), lambda b, mb: (b, mb, 0))],
        out_specs=[
            pl.BlockSpec((1, MBLK, NS), lambda b, mb: (b, mb, 0)),
            pl.BlockSpec((1, MBLK, 1), lambda b, mb: (b, mb, 0)),
        ],
        out_shape=[
            jax.ShapeDtypeStruct((B, M, NS), jnp.int32),
            jax.ShapeDtypeStruct((B, M, 1), jnp.float32),
        ],
    )(dist2)

    featT = jnp.transpose(features, (0, 2, 1))
    table = jnp.concatenate(
        [featT, xyz, jnp.zeros((B, N, D - 67), jnp.float32)], axis=-1
    ).reshape(B * N, D)
    rows = B * M * NS
    g = _make_sc_gather(rows, D)(table, idx.reshape(rows))

    qfT = jnp.transpose(query_features, (0, 2, 1)).reshape(B * M, 128)
    nqf = new_xyz.reshape(B * M, 3)
    cntf = cnt.reshape(B * M, 1)
    nblk = B * M // MBLK
    wspec = lambda shape: pl.BlockSpec(shape, lambda i: (0, 0))
    out = pl.pallas_call(
        _agg_body,
        grid=(nblk,),
        in_specs=[
            pl.BlockSpec((MBLK * NS, D), lambda i: (i, 0)),
            pl.BlockSpec((MBLK, 128), lambda i: (i, 0)),
            pl.BlockSpec((MBLK, 3), lambda i: (i, 0)),
            pl.BlockSpec((MBLK, 1), lambda i: (i, 0)),
            wspec((64, 128)), wspec((1, 128)),
            wspec((128, 64)), wspec((1, 64)),
            wspec((3, 32)), wspec((1, 32)),
            wspec((32, 1)), wspec((1, 1)),
            wspec((64, 1)), wspec((1, 1)),
            wspec((3, 32)), wspec((1, 32)),
        ],
        out_specs=pl.BlockSpec((MBLK, 160), lambda i: (i, 0)),
        out_shape=jax.ShapeDtypeStruct((B * M, 160), jnp.float32),
    )(
        g, qfT, nqf, cntf,
        W_mlp.T, b_mlp[None, :], Wq.T, bq[None, :],
        Wax1.T, bax1[None, :], Wax2.T, bax2[None, :],
        Waf.T, baf[None, :], Wx.T, bx[None, :],
    )
    out3 = jnp.transpose(out.reshape(B, M, 160), (0, 2, 1))
    return (new_xyz, out3)

# --- scband reference (transcript-rebuilt; emitter-appended) ---
"""Pipeline reference for scband-grouper6-2903397892784 (READ-ONLY COPY).

The authoritative reference and input builder live on the scoring server;
editing this copy changes nothing except your own understanding.
"""

import jax, jax.numpy as jnp
import numpy as np

RADIUS = 0.2
NSAMPLE = 32

def smlp(x, layers):
    # SharedMLP: 1x1 conv + ReLU per layer (bn=False)
    for (W, b) in layers:
        x = jax.nn.relu(jnp.einsum('oc,bcmn->bomn', W, x) + b[None, :, None, None])
    return x

def query_and_group(xyz, new_xyz, features, radius, nsample):
    # xyz: [B,N,3], new_xyz: [B,M,3], features: [B,C,N]
    B, N, _ = xyz.shape
    M = new_xyz.shape[1]
    dist2 = (jnp.sum(new_xyz ** 2, axis=-1)[:, :, None]
             + jnp.sum(xyz ** 2, axis=-1)[:, None, :]
             - 2.0 * jnp.einsum('bmd,bnd->bmn', new_xyz, xyz))  # [B,M,N]
    within = dist2 < radius ** 2
    key = jnp.where(within, jnp.arange(N)[None, None, :], N)
    order = jnp.argsort(key, axis=-1)[:, :, :nsample]  # [B,M,ns]
    cnt = jnp.sum(within, axis=-1)  # [B,M]
    valid = jnp.arange(nsample)[None, None, :] < cnt[:, :, None]
    first = jnp.where(cnt[:, :, None] > 0, order[:, :, :1], 0)
    idx = jnp.where(valid, order, first)  # [B,M,ns] pad with first neighbor (pointnet2 semantics)
    bidx = jnp.arange(B)[:, None, None]
    g_xyz = xyz[bidx, idx] - new_xyz[:, :, None, :]  # [B,M,ns,3] relative coords
    g_xyz = jnp.transpose(g_xyz, (0, 3, 1, 2))  # [B,3,M,ns]
    ft = jnp.transpose(features, (0, 2, 1))  # [B,N,C]
    g_feat = jnp.transpose(ft[bidx, idx], (0, 3, 1, 2))  # [B,C,M,ns]
    new_features = jnp.concatenate([g_xyz, g_feat], axis=1)  # [B,3+C,M,ns]
    idn = jnp.broadcast_to(cnt[:, :, None], (B, M, nsample)).astype(jnp.int32)
    return new_features, idn


def setup_inputs(seed: int = 0) -> dict:
    key = jax.random.key(seed)
    ks = jax.random.split(key, 20)
    B, N, M = 4, 4096, 1024
    C, Q = 64, 128
    s = 0.1
    inp = {
        'xyz': jax.random.uniform(ks[0], (B, N, 3), dtype=jnp.float32),
        'new_xyz': jax.random.uniform(ks[1], (B, M, 3), dtype=jnp.float32),
        'features': jax.random.normal(ks[2], (B, C, N), dtype=jnp.float32),
        'query_features': jax.random.normal(ks[3], (B, Q, M), dtype=jnp.float32),
        # mlps[0]: SharedMLP([64,128])
        'W_mlp': jax.random.normal(ks[4], (128, 64), dtype=jnp.float32) * s,
        'b_mlp': jnp.zeros((128,), dtype=jnp.float32),
        # query_feats_mlps: SharedMLP([128,64])
        'Wq': jax.random.normal(ks[5], (64, 128), dtype=jnp.float32) * s,
        'bq': jnp.zeros((64,), dtype=jnp.float32),
        # ad_xyz_mlps: SharedMLP([3,32,1])
        'Wax1': jax.random.normal(ks[6], (32, 3), dtype=jnp.float32) * s,
        'bax1': jnp.zeros((32,), dtype=jnp.float32),
        'Wax2': jax.random.normal(ks[7], (1, 32), dtype=jnp.float32) * s,
        'bax2': jnp.zeros((1,), dtype=jnp.float32),
        # ad_feats_mlps: SharedMLP([64,1])
        'Waf': jax.random.normal(ks[8], (1, 64), dtype=jnp.float32) * s,
        'baf': jnp.zeros((1,), dtype=jnp.float32),
        # xyz_mlps: SharedMLP([3,32])
        'Wx': jax.random.normal(ks[9], (32, 3), dtype=jnp.float32) * s,
        'bx': jnp.zeros((32,), dtype=jnp.float32),
    }
    return inp


def reference(xyz, new_xyz, features, query_features,
              W_mlp, b_mlp, Wq, bq, Wax1, bax1, Wax2, bax2, Waf, baf, Wx, bx):
    new_features_list = []
    # single grouper (radius=[0.2])
    new_features, idn = query_and_group(xyz, new_xyz, features, RADIUS, NSAMPLE)
    idn_sum = jnp.sum(idn, axis=2)  # [B,M]
    idn_mask = (idn_sum > 0)[:, :, None].astype(jnp.float32)  # [B,M,1]
    query_new_features = query_features[:, :, :, None]  # [B,Q,M,1]
    query_new_features = smlp(query_new_features, [(Wq, bq)])  # [B,64,M,1]
    _idn = jnp.where((idn_sum > 0)[:, :, None], idn, 1)  # [B,M,ns]
    _idn = _idn[:, None, :, :].astype(jnp.float32)  # [B,1,M,ns]
    new_features_xyz = new_features[:, :3, :, :]  # [B,3,M,ns]
    new_features = new_features[:, 3:, :, :]  # [B,64,M,ns]
    feats_dist = query_new_features - new_features  # [B,64,M,ns]
    feats_dist = smlp(feats_dist, [(Waf, baf)])  # [B,1,M,ns]
    feats_dist_weights = jax.nn.softmax(feats_dist, axis=-1)
    space_dist = smlp(new_features_xyz, [(Wax1, bax1), (Wax2, bax2)])  # [B,1,M,ns]
    space_dist_weights = jax.nn.softmax(feats_dist, axis=-1)  # NOTE: source softmaxes feats_dist again (faithful)
    bi_weights = feats_dist_weights * space_dist_weights  # computed but unused in source
    bi_edge = feats_dist * space_dist
    dist = jnp.linalg.norm(new_features_xyz, axis=1, keepdims=True)  # [B,1,M,ns]
    dist_recip = 1.0 / (dist + 1e-08)
    dist_recip = dist_recip / _idn
    norm = jnp.sum(dist_recip, axis=3, keepdims=True)
    weights = dist_recip / norm
    weights = weights * idn_mask[:, None, :, :]
    new_features = smlp(new_features, [(W_mlp, b_mlp)])  # [B,128,M,ns]
    new_features = weights * new_features
    new_features = new_features * bi_edge
    new_features_xyz = smlp(new_features_xyz, [(Wx, bx)])  # [B,32,M,ns]
    new_features_xyz = jnp.max(new_features_xyz, axis=3, keepdims=True)  # max_pool2d [1,ns]
    new_features = jnp.sum(new_features, axis=3, keepdims=True)
    new_features = jnp.squeeze(new_features, axis=-1)  # [B,128,M]
    new_features_xyz = jnp.squeeze(new_features_xyz, axis=-1)  # [B,32,M]
    new_features = jnp.concatenate([new_features_xyz, new_features], axis=1)  # [B,160,M]
    new_features_list.append(new_features)
    return (new_xyz, jnp.concatenate(new_features_list, axis=1))

if __name__ == "__main__":
    import jax
    _d = setup_inputs()
    print(jax.jit(kernel)(*tuple(_d.values())))

</pallas_src>

<mosaic_0001>
#map = affine_map<(d0, d1) -> (0, 0)>
#map1 = affine_map<(d0, d1) -> (0)>
module attributes {stable_mosaic.version = 14 : i64} {
  func.func @gather_k(%arg0: i32, %arg1: i32, %arg2: memref<16384x128xf32, #tpu.memory_space<hbm>>, %arg3: memref<131072xi32, #tpu.memory_space<hbm>>, %arg4: memref<131072x128xf32, #tpu.memory_space<hbm>>, %arg5: memref<512xi32, #tpu.memory_space<vmem>>, %arg6: memref<512x128xf32, #tpu.memory_space<vmem>>, %arg7: memref<!tpu.dma_semaphore, #tpu.memory_space<semaphore_mem>>) attributes {dimension_semantics = [#tpu.dimension_semantics<core_parallel>, #tpu.dimension_semantics<subcore_parallel>], iteration_bounds = array<i64: 2, 16>, scalar_prefetch = 0 : i64, scratch_operands = 3 : i64, tpu.core_type = #tpu.core_type<sc_vector_subcore>, window_params = [{transform_indices = #map}, {transform_indices = #map1}, {transform_indices = #map}]} {
    %mul3A = arith.constant 2 : i32
    %mul3A_0 = arith.muli %arg1, %mul3A : i32
    %add3A = arith.addi %mul3A_0, %arg0 : i32
    %mul3A_1 = arith.constant 4096 : i32
    %mul3A_2 = arith.muli %add3A, %mul3A_1 : i32
    %add3A_3 = arith.constant 0 : i32
    %add3A_4 = arith.addi %mul3A_2, %add3A_3 : i32
    "tpu.region"() ({
      %run_scoped3A = tpu.sem_alloc : memref<!tpu.dma_semaphore, #tpu.memory_space<semaphore_mem>>
      %dma_start3A_65 = tpu.memref_slice %arg3[%add3A_4] : memref<131072xi32, #tpu.memory_space<hbm>> -> memref<512xi32, #tpu.memory_space<hbm>>
      %dma_start3A_66 = tpu.memref_slice %arg3[%add3A_4] : memref<131072xi32, #tpu.memory_space<hbm>> -> memref<512xi32, #tpu.memory_space<hbm>>
      tpu.enqueue_dma source(%dma_start3A_66 : memref<512xi32, #tpu.memory_space<hbm>>) target(%arg5 : memref<512xi32, #tpu.memory_space<vmem>>) target_semaphore(%run_scoped3A : memref<!tpu.dma_semaphore, #tpu.memory_space<semaphore_mem>>)
      %dma_wait3A_67 = tpu.memref_slice %arg3[%add3A_4] : memref<131072xi32, #tpu.memory_space<hbm>> -> memref<512xi32, #tpu.memory_space<hbm>>
      %dma_wait3A_68 = tpu.memref_slice %arg3[%add3A_4] : memref<131072xi32, #tpu.memory_space<hbm>> -> memref<512xi32, #tpu.memory_space<hbm>>
      tpu.wait_dma2 semaphore(%run_scoped3A : memref<!tpu.dma_semaphore, #tpu.memory_space<semaphore_mem>>) src(%dma_wait3A_68 : memref<512xi32, #tpu.memory_space<hbm>>) dst(%arg5 : memref<512xi32, #tpu.memory_space<vmem>>)
      tpu.yield
    }) : () -> ()
    %dma_start3A = arith.constant 0 : i32
    %dma_start3A_5 = arith.constant 0 : i32
    %dma_start3A_6 = tpu.memref_slice %arg2[%dma_start3A, %dma_start3A_5] : memref<16384x128xf32, #tpu.memory_space<hbm>> -> memref<16384x128xf32, #tpu.memory_space<hbm>>
    tpu.enqueue_indirect_dma source(%dma_start3A_6 : memref<16384x128xf32, #tpu.memory_space<hbm>>) target(%arg6 : memref<512x128xf32, #tpu.memory_space<vmem>>) offsets(%arg5 : memref<512xi32, #tpu.memory_space<vmem>>) semaphore(%arg7 : memref<!tpu.dma_semaphore, #tpu.memory_space<semaphore_mem>>)
    %dma_wait3A = arith.constant 0 : i32
    %dma_wait3A_7 = arith.constant 0 : i32
    %dma_wait3A_8 = tpu.memref_slice %arg2[%dma_wait3A, %dma_wait3A_7] : memref<16384x128xf32, #tpu.memory_space<hbm>> -> memref<16384x128xf32, #tpu.memory_space<hbm>>
    tpu.wait_indirect_dma semaphore(%arg7 : memref<!tpu.dma_semaphore, #tpu.memory_space<semaphore_mem>>) src(%dma_wait3A_8 : memref<16384x128xf32, #tpu.memory_space<hbm>>) dst(%arg6 : memref<512x128xf32, #tpu.memory_space<vmem>>)
    "tpu.region"() ({
      %run_scoped3A = tpu.sem_alloc : memref<!tpu.dma_semaphore, #tpu.memory_space<semaphore_mem>>
      %dma_start3A_65 = arith.constant 0 : i32
      %dma_start3A_66 = tpu.memref_slice %arg4[%add3A_4, %dma_start3A_65] : memref<131072x128xf32, #tpu.memory_space<hbm>> -> memref<512x128xf32, #tpu.memory_space<hbm>>
      %dma_start3A_67 = arith.constant 0 : i32
      %dma_start3A_68 = tpu.memref_slice %arg4[%add3A_4, %dma_start3A_67] : memref<131072x128xf32, #tpu.memory_space<hbm>> -> memref<512x128xf32, #tpu.memory_space<hbm>>
      tpu.enqueue_dma source(%arg6 : memref<512x128xf32, #tpu.memory_space<vmem>>) target(%dma_start3A_68 : memref<512x128xf32, #tpu.memory_space<hbm>>) target_semaphore(%run_scoped3A : memref<!tpu.dma_semaphore, #tpu.memory_space<semaphore_mem>>)
      %dma_wait3A_69 = arith.constant 0 : i32
      %dma_wait3A_70 = tpu.memref_slice %arg4[%add3A_4, %dma_wait3A_69] : memref<131072x128xf32, #tpu.memory_space<hbm>> -> memref<512x128xf32, #tpu.memory_space<hbm>>
      %dma_wait3A_71 = arith.constant 0 : i32
      %dma_wait3A_72 = tpu.memref_slice %arg4[%add3A_4, %dma_wait3A_71] : memref<131072x128xf32, #tpu.memory_space<hbm>> -> memref<512x128xf32, #tpu.memory_space<hbm>>
      tpu.wait_dma2 semaphore(%run_scoped3A : memref<!tpu.dma_semaphore, #tpu.memory_space<semaphore_mem>>) src(%arg6 : memref<512x128xf32, #tpu.memory_space<vmem>>) dst(%dma_wait3A_72 : memref<512x128xf32, #tpu.memory_space<hbm>>)
      tpu.yield
    }) : () -> ()
    %add3A_9 = arith.constant 512 : i32
    %add3A_10 = arith.addi %mul3A_2, %add3A_9 : i32
    "tpu.region"() ({
      %run_scoped3A = tpu.sem_alloc : memref<!tpu.dma_semaphore, #tpu.memory_space<semaphore_mem>>
      %dma_start3A_65 = tpu.memref_slice %arg3[%add3A_10] : memref<131072xi32, #tpu.memory_space<hbm>> -> memref<512xi32, #tpu.memory_space<hbm>>
      %dma_start3A_66 = tpu.memref_slice %arg3[%add3A_10] : memref<131072xi32, #tpu.memory_space<hbm>> -> memref<512xi32, #tpu.memory_space<hbm>>
      tpu.enqueue_dma source(%dma_start3A_66 : memref<512xi32, #tpu.memory_space<hbm>>) target(%arg5 : memref<512xi32, #tpu.memory_space<vmem>>) target_semaphore(%run_scoped3A : memref<!tpu.dma_semaphore, #tpu.memory_space<semaphore_mem>>)
      %dma_wait3A_67 = tpu.memref_slice %arg3[%add3A_10] : memref<131072xi32, #tpu.memory_space<hbm>> -> memref<512xi32, #tpu.memory_space<hbm>>
      %dma_wait3A_68 = tpu.memref_slice %arg3[%add3A_10] : memref<131072xi32, #tpu.memory_space<hbm>> -> memref<512xi32, #tpu.memory_space<hbm>>
      tpu.wait_dma2 semaphore(%run_scoped3A : memref<!tpu.dma_semaphore, #tpu.memory_space<semaphore_mem>>) src(%dma_wait3A_68 : memref<512xi32, #tpu.memory_space<hbm>>) dst(%arg5 : memref<512xi32, #tpu.memory_space<vmem>>)
      tpu.yield
    }) : () -> ()
    %dma_start3A_11 = arith.constant 0 : i32
    %dma_start3A_12 = arith.constant 0 : i32
    %dma_start3A_13 = tpu.memref_slice %arg2[%dma_start3A_11, %dma_start3A_12] : memref<16384x128xf32, #tpu.memory_space<hbm>> -> memref<16384x128xf32, #tpu.memory_space<hbm>>
    tpu.enqueue_indirect_dma source(%dma_start3A_13 : memref<16384x128xf32, #tpu.memory_space<hbm>>) target(%arg6 : memref<512x128xf32, #tpu.memory_space<vmem>>) offsets(%arg5 : memref<512xi32, #tpu.memory_space<vmem>>) semaphore(%arg7 : memref<!tpu.dma_semaphore, #tpu.memory_space<semaphore_mem>>)
    %dma_wait3A_14 = arith.constant 0 : i32
    %dma_wait3A_15 = arith.constant 0 : i32
    %dma_wait3A_16 = tpu.memref_slice %arg2[%dma_wait3A_14, %dma_wait3A_15] : memref<16384x128xf32, #tpu.memory_space<hbm>> -> memref<16384x128xf32, #tpu.memory_space<hbm>>
    tpu.wait_indirect_dma semaphore(%arg7 : memref<!tpu.dma_semaphore, #tpu.memory_space<semaphore_mem>>) src(%dma_wait3A_16 : memref<16384x128xf32, #tpu.memory_space<hbm>>) dst(%arg6 : memref<512x128xf32, #tpu.memory_space<vmem>>)
    "tpu.region"() ({
      %run_scoped3A = tpu.sem_alloc : memref<!tpu.dma_semaphore, #tpu.memory_space<semaphore_mem>>
      %dma_start3A_65 = arith.constant 0 : i32
      %dma_start3A_66 = tpu.memref_slice %arg4[%add3A_10, %dma_start3A_65] : memref<131072x128xf32, #tpu.memory_space<hbm>> -> memref<512x128xf32, #tpu.memory_space<hbm>>
      %dma_start3A_67 = arith.constant 0 : i32
      %dma_start3A_68 = tpu.memref_slice %arg4[%add3A_10, %dma_start3A_67] : memref<131072x128xf32, #tpu.memory_space<hbm>> -> memref<512x128xf32, #tpu.memory_space<hbm>>
      tpu.enqueue_dma source(%arg6 : memref<512x128xf32, #tpu.memory_space<vmem>>) target(%dma_start3A_68 : memref<512x128xf32, #tpu.memory_space<hbm>>) target_semaphore(%run_scoped3A : memref<!tpu.dma_semaphore, #tpu.memory_space<semaphore_mem>>)
      %dma_wait3A_69 = arith.constant 0 : i32
      %dma_wait3A_70 = tpu.memref_slice %arg4[%add3A_10, %dma_wait3A_69] : memref<131072x128xf32, #tpu.memory_space<hbm>> -> memref<512x128xf32, #tpu.memory_space<hbm>>
      %dma_wait3A_71 = arith.constant 0 : i32
      %dma_wait3A_72 = tpu.memref_slice %arg4[%add3A_10, %dma_wait3A_71] : memref<131072x128xf32, #tpu.memory_space<hbm>> -> memref<512x128xf32, #tpu.memory_space<hbm>>
      tpu.wait_dma2 semaphore(%run_scoped3A : memref<!tpu.dma_semaphore, #tpu.memory_space<semaphore_mem>>) src(%arg6 : memref<512x128xf32, #tpu.memory_space<vmem>>) dst(%dma_wait3A_72 : memref<512x128xf32, #tpu.memory_space<hbm>>)
      tpu.yield
    }) : () -> ()
    %add3A_17 = arith.constant 1024 : i32
    %add3A_18 = arith.addi %mul3A_2, %add3A_17 : i32
    "tpu.region"() ({
      %run_scoped3A = tpu.sem_alloc : memref<!tpu.dma_semaphore, #tpu.memory_space<semaphore_mem>>
      %dma_start3A_65 = tpu.memref_slice %arg3[%add3A_18] : memref<131072xi32, #tpu.memory_space<hbm>> -> memref<512xi32, #tpu.memory_space<hbm>>
      %dma_start3A_66 = tpu.memref_slice %arg3[%add3A_18] : memref<131072xi32, #tpu.memory_space<hbm>> -> memref<512xi32, #tpu.memory_space<hbm>>
      tpu.enqueue_dma source(%dma_start3A_66 : memref<512xi32, #tpu.memory_space<hbm>>) target(%arg5 : memref<512xi32, #tpu.memory_space<vmem>>) target_semaphore(%run_scoped3A : memref<!tpu.dma_semaphore, #tpu.memory_space<semaphore_mem>>)
      %dma_wait3A_67 = tpu.memref_slice %arg3[%add3A_18] : memref<131072xi32, #tpu.memory_space<hbm>> -> memref<512xi32, #tpu.memory_space<hbm>>
      %dma_wait3A_68 = tpu.memref_slice %arg3[%add3A_18] : memref<131072xi32, #tpu.memory_space<hbm>> -> memref<512xi32, #tpu.memory_space<hbm>>
      tpu.wait_dma2 semaphore(%run_scoped3A : memref<!tpu.dma_semaphore, #tpu.memory_space<semaphore_mem>>) src(%dma_wait3A_68 : memref<512xi32, #tpu.memory_space<hbm>>) dst(%arg5 : memref<512xi32, #tpu.memory_space<vmem>>)
      tpu.yield
    }) : () -> ()
    %dma_start3A_19 = arith.constant 0 : i32
    %dma_start3A_20 = arith.constant 0 : i32
    %dma_start3A_21 = tpu.memref_slice %arg2[%dma_start3A_19, %dma_start3A_20] : memref<16384x128xf32, #tpu.memory_space<hbm>> -> memref<16384x128xf32, #tpu.memory_space<hbm>>
    tpu.enqueue_indirect_dma source(%dma_start3A_21 : memref<16384x128xf32, #tpu.memory_space<hbm>>) target(%arg6 : memref<512x128xf32, #tpu.memory_space<vmem>>) offsets(%arg5 : memref<512xi32, #tpu.memory_space<vmem>>) semaphore(%arg7 : memref<!tpu.dma_semaphore, #tpu.memory_space<semaphore_mem>>)
    %dma_wait3A_22 = arith.constant 0 : i32
    %dma_wait3A_23 = arith.constant 0 : i32
    %dma_wait3A_24 = tpu.memref_slice %arg2[%dma_wait3A_22, %dma_wait3A_23] : memref<16384x128xf32, #tpu.memory_space<hbm>> -> memref<16384x128xf32, #tpu.memory_space<hbm>>
    tpu.wait_indirect_dma semaphore(%arg7 : memref<!tpu.dma_semaphore, #tpu.memory_space<semaphore_mem>>) src(%dma_wait3A_24 : memref<16384x128xf32, #tpu.memory_space<hbm>>) dst(%arg6 : memref<512x128xf32, #tpu.memory_space<vmem>>)
    "tpu.region"() ({
      %run_scoped3A = tpu.sem_alloc : memref<!tpu.dma_semaphore, #tpu.memory_space<semaphore_mem>>
      %dma_start3A_65 = arith.constant 0 : i32
      %dma_start3A_66 = tpu.memref_slice %arg4[%add3A_18, %dma_start3A_65] : memref<131072x128xf32, #tpu.memory_space<hbm>> -> memref<512x128xf32, #tpu.memory_space<hbm>>
      %dma_start3A_67 = arith.constant 0 : i32
      %dma_start3A_68 = tpu.memref_slice %arg4[%add3A_18, %dma_start3A_67] : memref<131072x128xf32, #tpu.memory_space<hbm>> -> memref<512x128xf32, #tpu.memory_space<hbm>>
      tpu.enqueue_dma source(%arg6 : memref<512x128xf32, #tpu.memory_space<vmem>>) target(%dma_start3A_68 : memref<512x128xf32, #tpu.memory_space<hbm>>) target_semaphore(%run_scoped3A : memref<!tpu.dma_semaphore, #tpu.memory_space<semaphore_mem>>)
      %dma_wait3A_69 = arith.constant 0 : i32
      %dma_wait3A_70 = tpu.memref_slice %arg4[%add3A_18, %dma_wait3A_69] : memref<131072x128xf32, #tpu.memory_space<hbm>> -> memref<512x128xf32, #tpu.memory_space<hbm>>
      %dma_wait3A_71 = arith.constant 0 : i32
      %dma_wait3A_72 = tpu.memref_slice %arg4[%add3A_18, %dma_wait3A_71] : memref<131072x128xf32, #tpu.memory_space<hbm>> -> memref<512x128xf32, #tpu.memory_space<hbm>>
      tpu.wait_dma2 semaphore(%run_scoped3A : memref<!tpu.dma_semaphore, #tpu.memory_space<semaphore_mem>>) src(%arg6 : memref<512x128xf32, #tpu.memory_space<vmem>>) dst(%dma_wait3A_72 : memref<512x128xf32, #tpu.memory_space<hbm>>)
      tpu.yield
    }) : () -> ()
    %add3A_25 = arith.constant 1536 : i32
    %add3A_26 = arith.addi %mul3A_2, %add3A_25 : i32
    "tpu.region"() ({
      %run_scoped3A = tpu.sem_alloc : memref<!tpu.dma_semaphore, #tpu.memory_space<semaphore_mem>>
      %dma_start3A_65 = tpu.memref_slice %arg3[%add3A_26] : memref<131072xi32, #tpu.memory_space<hbm>> -> memref<512xi32, #tpu.memory_space<hbm>>
      %dma_start3A_66 = tpu.memref_slice %arg3[%add3A_26] : memref<131072xi32, #tpu.memory_space<hbm>> -> memref<512xi32, #tpu.memory_space<hbm>>
      tpu.enqueue_dma source(%dma_start3A_66 : memref<512xi32, #tpu.memory_space<hbm>>) target(%arg5 : memref<512xi32, #tpu.memory_space<vmem>>) target_semaphore(%run_scoped3A : memref<!tpu.dma_semaphore, #tpu.memory_space<semaphore_mem>>)
      %dma_wait3A_67 = tpu.memref_slice %arg3[%add3A_26] : memref<131072xi32, #tpu.memory_space<hbm>> -> memref<512xi32, #tpu.memory_space<hbm>>
      %dma_wait3A_68 = tpu.memref_slice %arg3[%add3A_26] : memref<131072xi32, #tpu.memory_space<hbm>> -> memref<512xi32, #tpu.memory_space<hbm>>
      tpu.wait_dma2 semaphore(%run_scoped3A : memref<!tpu.dma_semaphore, #tpu.memory_space<semaphore_mem>>) src(%dma_wait3A_68 : memref<512xi32, #tpu.memory_space<hbm>>) dst(%arg5 : memref<512xi32, #tpu.memory_space<vmem>>)
      tpu.yield
    }) : () -> ()
    %dma_start3A_27 = arith.constant 0 : i32
    %dma_start3A_28 = arith.constant 0 : i32
    %dma_start3A_29 = tpu.memref_slice %arg2[%dma_start3A_27, %dma_start3A_28] : memref<16384x128xf32, #tpu.memory_space<hbm>> -> memref<16384x128xf32, #tpu.memory_space<hbm>>
    tpu.enqueue_indirect_dma source(%dma_start3A_29 : memref<16384x128xf32, #tpu.memory_space<hbm>>) target(%arg6 : memref<512x128xf32, #tpu.memory_space<vmem>>) offsets(%arg5 : memref<512xi32, #tpu.memory_space<vmem>>) semaphore(%arg7 : memref<!tpu.dma_semaphore, #tpu.memory_space<semaphore_mem>>)
    %dma_wait3A_30 = arith.constant 0 : i32
    %dma_wait3A_31 = arith.constant 0 : i32
    %dma_wait3A_32 = tpu.memref_slice %arg2[%dma_wait3A_30, %dma_wait3A_31] : memref<16384x128xf32, #tpu.memory_space<hbm>> -> memref<16384x128xf32, #tpu.memory_space<hbm>>
    tpu.wait_indirect_dma semaphore(%arg7 : memref<!tpu.dma_semaphore, #tpu.memory_space<semaphore_mem>>) src(%dma_wait3A_32 : memref<16384x128xf32, #tpu.memory_space<hbm>>) dst(%arg6 : memref<512x128xf32, #tpu.memory_space<vmem>>)
    "tpu.region"() ({
      %run_scoped3A = tpu.sem_alloc : memref<!tpu.dma_semaphore, #tpu.memory_space<semaphore_mem>>
      %dma_start3A_65 = arith.constant 0 : i32
      %dma_start3A_66 = tpu.memref_slice %arg4[%add3A_26, %dma_start3A_65] : memref<131072x128xf32, #tpu.memory_space<hbm>> -> memref<512x128xf32, #tpu.memory_space<hbm>>
      %dma_start3A_67 = arith.constant 0 : i32
      %dma_start3A_68 = tpu.memref_slice %arg4[%add3A_26, %dma_start3A_67] : memref<131072x128xf32, #tpu.memory_space<hbm>> -> memref<512x128xf32, #tpu.memory_space<hbm>>
      tpu.enqueue_dma source(%arg6 : memref<512x128xf32, #tpu.memory_space<vmem>>) target(%dma_start3A_68 : memref<512x128xf32, #tpu.memory_space<hbm>>) target_semaphore(%run_scoped3A : memref<!tpu.dma_semaphore, #tpu.memory_space<semaphore_mem>>)
      %dma_wait3A_69 = arith.constant 0 : i32
      %dma_wait3A_70 = tpu.memref_slice %arg4[%add3A_26, %dma_wait3A_69] : memref<131072x128xf32, #tpu.memory_space<hbm>> -> memref<512x128xf32, #tpu.memory_space<hbm>>
      %dma_wait3A_71 = arith.constant 0 : i32
      %dma_wait3A_72 = tpu.memref_slice %arg4[%add3A_26, %dma_wait3A_71] : memref<131072x128xf32, #tpu.memory_space<hbm>> -> memref<512x128xf32, #tpu.memory_space<hbm>>
      tpu.wait_dma2 semaphore(%run_scoped3A : memref<!tpu.dma_semaphore, #tpu.memory_space<semaphore_mem>>) src(%arg6 : memref<512x128xf32, #tpu.memory_space<vmem>>) dst(%dma_wait3A_72 : memref<512x128xf32, #tpu.memory_space<hbm>>)
      tpu.yield
    }) : () -> ()
    %add3A_33 = arith.constant 2048 : i32
    %add3A_34 = arith.addi %mul3A_2, %add3A_33 : i32
    "tpu.region"() ({
      %run_scoped3A = tpu.sem_alloc : memref<!tpu.dma_semaphore, #tpu.memory_space<semaphore_mem>>
      %dma_start3A_65 = tpu.memref_slice %arg3[%add3A_34] : memref<131072xi32, #tpu.memory_space<hbm>> -> memref<512xi32, #tpu.memory_space<hbm>>
      %dma_start3A_66 = tpu.memref_slice %arg3[%add3A_34] : memref<131072xi32, #tpu.memory_space<hbm>> -> memref<512xi32, #tpu.memory_space<hbm>>
      tpu.enqueue_dma source(%dma_start3A_66 : memref<512xi32, #tpu.memory_space<hbm>>) target(%arg5 : memref<512xi32, #tpu.memory_space<vmem>>) target_semaphore(%run_scoped3A : memref<!tpu.dma_semaphore, #tpu.memory_space<semaphore_mem>>)
      %dma_wait3A_67 = tpu.memref_slice %arg3[%add3A_34] : memref<131072xi32, #tpu.memory_space<hbm>> -> memref<512xi32, #tpu.memory_space<hbm>>
      %dma_wait3A_68 = tpu.memref_slice %arg3[%add3A_34] : memref<131072xi32, #tpu.memory_space<hbm>> -> memref<512xi32, #tpu.memory_space<hbm>>
      tpu.wait_dma2 semaphore(%run_scoped3A : memref<!tpu.dma_semaphore, #tpu.memory_space<semaphore_mem>>) src(%dma_wait3A_68 : memref<512xi32, #tpu.memory_space<hbm>>) dst(%arg5 : memref<512xi32, #tpu.memory_space<vmem>>)
      tpu.yield
    }) : () -> ()
    %dma_start3A_35 = arith.constant 0 : i32
    %dma_start3A_36 = arith.constant 0 : i32
    %dma_start3A_37 = tpu.memref_slice %arg2[%dma_start3A_35, %dma_start3A_36] : memref<16384x128xf32, #tpu.memory_space<hbm>> -> memref<16384x128xf32, #tpu.memory_space<hbm>>
    tpu.enqueue_indirect_dma source(%dma_start3A_37 : memref<16384x128xf32, #tpu.memory_space<hbm>>) target(%arg6 : memref<512x128xf32, #tpu.memory_space<vmem>>) offsets(%arg5 : memref<512xi32, #tpu.memory_space<vmem>>) semaphore(%arg7 : memref<!tpu.dma_semaphore, #tpu.memory_space<semaphore_mem>>)
    %dma_wait3A_38 = arith.constant 0 : i32
    %dma_wait3A_39 = arith.constant 0 : i32
    %dma_wait3A_40 = tpu.memref_slice %arg2[%dma_wait3A_38, %dma_wait3A_39] : memref<16384x128xf32, #tpu.memory_space<hbm>> -> memref<16384x128xf32, #tpu.memory_space<hbm>>
    tpu.wait_indirect_dma semaphore(%arg7 : memref<!tpu.dma_semaphore, #tpu.memory_space<semaphore_mem>>) src(%dma_wait3A_40 : memref<16384x128xf32, #tpu.memory_space<hbm>>) dst(%arg6 : memref<512x128xf32, #tpu.memory_space<vmem>>)
    "tpu.region"() ({
      %run_scoped3A = tpu.sem_alloc : memref<!tpu.dma_semaphore, #tpu.memory_space<semaphore_mem>>
      %dma_start3A_65 = arith.constant 0 : i32
      %dma_start3A_66 = tpu.memref_slice %arg4[%add3A_34, %dma_start3A_65] : memref<131072x128xf32, #tpu.memory_space<hbm>> -> memref<512x128xf32, #tpu.memory_space<hbm>>
      %dma_start3A_67 = arith.constant 0 : i32
      %dma_start3A_68 = tpu.memref_slice %arg4[%add3A_34, %dma_start3A_67] : memref<131072x128xf32, #tpu.memory_space<hbm>> -> memref<512x128xf32, #tpu.memory_space<hbm>>
      tpu.enqueue_dma source(%arg6 : memref<512x128xf32, #tpu.memory_space<vmem>>) target(%dma_start3A_68 : memref<512x128xf32, #tpu.memory_space<hbm>>) target_semaphore(%run_scoped3A : memref<!tpu.dma_semaphore, #tpu.memory_space<semaphore_mem>>)
      %dma_wait3A_69 = arith.constant 0 : i32
      %dma_wait3A_70 = tpu.memref_slice %arg4[%add3A_34, %dma_wait3A_69] : memref<131072x128xf32, #tpu.memory_space<hbm>> -> memref<512x128xf32, #tpu.memory_space<hbm>>
      %dma_wait3A_71 = arith.constant 0 : i32
      %dma_wait3A_72 = tpu.memref_slice %arg4[%add3A_34, %dma_wait3A_71] : memref<131072x128xf32, #tpu.memory_space<hbm>> -> memref<512x128xf32, #tpu.memory_space<hbm>>
      tpu.wait_dma2 semaphore(%run_scoped3A : memref<!tpu.dma_semaphore, #tpu.memory_space<semaphore_mem>>) src(%arg6 : memref<512x128xf32, #tpu.memory_space<vmem>>) dst(%dma_wait3A_72 : memref<512x128xf32, #tpu.memory_space<hbm>>)
      tpu.yield
    }) : () -> ()
    %add3A_41 = arith.constant 2560 : i32
    %add3A_42 = arith.addi %mul3A_2, %add3A_41 : i32
    "tpu.region"() ({
      %run_scoped3A = tpu.sem_alloc : memref<!tpu.dma_semaphore, #tpu.memory_space<semaphore_mem>>
      %dma_start3A_65 = tpu.memref_slice %arg3[%add3A_42] : memref<131072xi32, #tpu.memory_space<hbm>> -> memref<512xi32, #tpu.memory_space<hbm>>
      %dma_start3A_66 = tpu.memref_slice %arg3[%add3A_42] : memref<131072xi32, #tpu.memory_space<hbm>> -> memref<512xi32, #tpu.memory_space<hbm>>
      tpu.enqueue_dma source(%dma_start3A_66 : memref<512xi32, #tpu.memory_space<hbm>>) target(%arg5 : memref<512xi32, #tpu.memory_space<vmem>>) target_semaphore(%run_scoped3A : memref<!tpu.dma_semaphore, #tpu.memory_space<semaphore_mem>>)
      %dma_wait3A_67 = tpu.memref_slice %arg3[%add3A_42] : memref<131072xi32, #tpu.memory_space<hbm>> -> memref<512xi32, #tpu.memory_space<hbm>>
      %dma_wait3A_68 = tpu.memref_slice %arg3[%add3A_42] : memref<131072xi32, #tpu.memory_space<hbm>> -> memref<512xi32, #tpu.memory_space<hbm>>
      tpu.wait_dma2 semaphore(%run_scoped3A : memref<!tpu.dma_semaphore, #tpu.memory_space<semaphore_mem>>) src(%dma_wait3A_68 : memref<512xi32, #tpu.memory_space<hbm>>) dst(%arg5 : memref<512xi32, #tpu.memory_space<vmem>>)
      tpu.yield
    }) : () -> ()
    %dma_start3A_43 = arith.constant 0 : i32
    %dma_start3A_44 = arith.constant 0 : i32
    %dma_start3A_45 = tpu.memref_slice %arg2[%dma_start3A_43, %dma_start3A_44] : memref<16384x128xf32, #tpu.memory_space<hbm>> -> memref<16384x128xf32, #tpu.memory_space<hbm>>
    tpu.enqueue_indirect_dma source(%dma_start3A_45 : memref<16384x128xf32, #tpu.memory_space<hbm>>) target(%arg6 : memref<512x128xf32, #tpu.memory_space<vmem>>) offsets(%arg5 : memref<512xi32, #tpu.memory_space<vmem>>) semaphore(%arg7 : memref<!tpu.dma_semaphore, #tpu.memory_space<semaphore_mem>>)
    %dma_wait3A_46 = arith.constant 0 : i32
    %dma_wait3A_47 = arith.constant 0 : i32
    %dma_wait3A_48 = tpu.memref_slice %arg2[%dma_wait3A_46, %dma_wait3A_47] : memref<16384x128xf32, #tpu.memory_space<hbm>> -> memref<16384x128xf32, #tpu.memory_space<hbm>>
    tpu.wait_indirect_dma semaphore(%arg7 : memref<!tpu.dma_semaphore, #tpu.memory_space<semaphore_mem>>) src(%dma_wait3A_48 : memref<16384x128xf32, #tpu.memory_space<hbm>>) dst(%arg6 : memref<512x128xf32, #tpu.memory_space<vmem>>)
    "tpu.region"() ({
      %run_scoped3A = tpu.sem_alloc : memref<!tpu.dma_semaphore, #tpu.memory_space<semaphore_mem>>
      %dma_start3A_65 = arith.constant 0 : i32
      %dma_start3A_66 = tpu.memref_slice %arg4[%add3A_42, %dma_start3A_65] : memref<131072x128xf32, #tpu.memory_space<hbm>> -> memref<512x128xf32, #tpu.memory_space<hbm>>
      %dma_start3A_67 = arith.constant 0 : i32
      %dma_start3A_68 = tpu.memref_slice %arg4[%add3A_42, %dma_start3A_67] : memref<131072x128xf32, #tpu.memory_space<hbm>> -> memref<512x128xf32, #tpu.memory_space<hbm>>
      tpu.enqueue_dma source(%arg6 : memref<512x128xf32, #tpu.memory_space<vmem>>) target(%dma_start3A_68 : memref<512x128xf32, #tpu.memory_space<hbm>>) target_semaphore(%run_scoped3A : memref<!tpu.dma_semaphore, #tpu.memory_space<semaphore_mem>>)
      %dma_wait3A_69 = arith.constant 0 : i32
      %dma_wait3A_70 = tpu.memref_slice %arg4[%add3A_42, %dma_wait3A_69] : memref<131072x128xf32, #tpu.memory_space<hbm>> -> memref<512x128xf32, #tpu.memory_space<hbm>>
      %dma_wait3A_71 = arith.constant 0 : i32
      %dma_wait3A_72 = tpu.memref_slice %arg4[%add3A_42, %dma_wait3A_71] : memref<131072x128xf32, #tpu.memory_space<hbm>> -> memref<512x128xf32, #tpu.memory_space<hbm>>
      tpu.wait_dma2 semaphore(%run_scoped3A : memref<!tpu.dma_semaphore, #tpu.memory_space<semaphore_mem>>) src(%arg6 : memref<512x128xf32, #tpu.memory_space<vmem>>) dst(%dma_wait3A_72 : memref<512x128xf32, #tpu.memory_space<hbm>>)
      tpu.yield
    }) : () -> ()
    %add3A_49 = arith.constant 3072 : i32
    %add3A_50 = arith.addi %mul3A_2, %add3A_49 : i32
    "tpu.region"() ({
      %run_scoped3A = tpu.sem_alloc : memref<!tpu.dma_semaphore, #tpu.memory_space<semaphore_mem>>
      %dma_start3A_65 = tpu.memref_slice %arg3[%add3A_50] : memref<131072xi32, #tpu.memory_space<hbm>> -> memref<512xi32, #tpu.memory_space<hbm>>
      %dma_start3A_66 = tpu.memref_slice %arg3[%add3A_50] : memref<131072xi32, #tpu.memory_space<hbm>> -> memref<512xi32, #tpu.memory_space<hbm>>
      tpu.enqueue_dma source(%dma_start3A_66 : memref<512xi32, #tpu.memory_space<hbm>>) target(%arg5 : memref<512xi32, #tpu.memory_space<vmem>>) target_semaphore(%run_scoped3A : memref<!tpu.dma_semaphore, #tpu.memory_space<semaphore_mem>>)
      %dma_wait3A_67 = tpu.memref_slice %arg3[%add3A_50] : memref<131072xi32, #tpu.memory_space<hbm>> -> memref<512xi32, #tpu.memory_space<hbm>>
      %dma_wait3A_68 = tpu.memref_slice %arg3[%add3A_50] : memref<131072xi32, #tpu.memory_space<hbm>> -> memref<512xi32, #tpu.memory_space<hbm>>
      tpu.wait_dma2 semaphore(%run_scoped3A : memref<!tpu.dma_semaphore, #tpu.memory_space<semaphore_mem>>) src(%dma_wait3A_68 : memref<512xi32, #tpu.memory_space<hbm>>) dst(%arg5 : memref<512xi32, #tpu.memory_space<vmem>>)
      tpu.yield
    }) : () -> ()
    %dma_start3A_51 = arith.constant 0 : i32
    %dma_start3A_52 = arith.constant 0 : i32
    %dma_start3A_53 = tpu.memref_slice %arg2[%dma_start3A_51, %dma_start3A_52] : memref<16384x128xf32, #tpu.memory_space<hbm>> -> memref<16384x128xf32, #tpu.memory_space<hbm>>
    tpu.enqueue_indirect_dma source(%dma_start3A_53 : memref<16384x128xf32, #tpu.memory_space<hbm>>) target(%arg6 : memref<512x128xf32, #tpu.memory_space<vmem>>) offsets(%arg5 : memref<512xi32, #tpu.memory_space<vmem>>) semaphore(%arg7 : memref<!tpu.dma_semaphore, #tpu.memory_space<semaphore_mem>>)
    %dma_wait3A_54 = arith.constant 0 : i32
    %dma_wait3A_55 = arith.constant 0 : i32
    %dma_wait3A_56 = tpu.memref_slice %arg2[%dma_wait3A_54, %dma_wait3A_55] : memref<16384x128xf32, #tpu.memory_space<hbm>> -> memref<16384x128xf32, #tpu.memory_space<hbm>>
    tpu.wait_indirect_dma semaphore(%arg7 : memref<!tpu.dma_semaphore, #tpu.memory_space<semaphore_mem>>) src(%dma_wait3A_56 : memref<16384x128xf32, #tpu.memory_space<hbm>>) dst(%arg6 : memref<512x128xf32, #tpu.memory_space<vmem>>)
    "tpu.region"() ({
      %run_scoped3A = tpu.sem_alloc : memref<!tpu.dma_semaphore, #tpu.memory_space<semaphore_mem>>
      %dma_start3A_65 = arith.constant 0 : i32
      %dma_start3A_66 = tpu.memref_slice %arg4[%add3A_50, %dma_start3A_65] : memref<131072x128xf32, #tpu.memory_space<hbm>> -> memref<512x128xf32, #tpu.memory_space<hbm>>
      %dma_start3A_67 = arith.constant 0 : i32
      %dma_start3A_68 = tpu.memref_slice %arg4[%add3A_50, %dma_start3A_67] : memref<131072x128xf32, #tpu.memory_space<hbm>> -> memref<512x128xf32, #tpu.memory_space<hbm>>
      tpu.enqueue_dma source(%arg6 : memref<512x128xf32, #tpu.memory_space<vmem>>) target(%dma_start3A_68 : memref<512x128xf32, #tpu.memory_space<hbm>>) target_semaphore(%run_scoped3A : memref<!tpu.dma_semaphore, #tpu.memory_space<semaphore_mem>>)
      %dma_wait3A_69 = arith.constant 0 : i32
      %dma_wait3A_70 = tpu.memref_slice %arg4[%add3A_50, %dma_wait3A_69] : memref<131072x128xf32, #tpu.memory_space<hbm>> -> memref<512x128xf32, #tpu.memory_space<hbm>>
      %dma_wait3A_71 = arith.constant 0 : i32
      %dma_wait3A_72 = tpu.memref_slice %arg4[%add3A_50, %dma_wait3A_71] : memref<131072x128xf32, #tpu.memory_space<hbm>> -> memref<512x128xf32, #tpu.memory_space<hbm>>
      tpu.wait_dma2 semaphore(%run_scoped3A : memref<!tpu.dma_semaphore, #tpu.memory_space<semaphore_mem>>) src(%arg6 : memref<512x128xf32, #tpu.memory_space<vmem>>) dst(%dma_wait3A_72 : memref<512x128xf32, #tpu.memory_space<hbm>>)
      tpu.yield
    }) : () -> ()
    %add3A_57 = arith.constant 3584 : i32
    %add3A_58 = arith.addi %mul3A_2, %add3A_57 : i32
    "tpu.region"() ({
      %run_scoped3A = tpu.sem_alloc : memref<!tpu.dma_semaphore, #tpu.memory_space<semaphore_mem>>
      %dma_start3A_65 = tpu.memref_slice %arg3[%add3A_58] : memref<131072xi32, #tpu.memory_space<hbm>> -> memref<512xi32, #tpu.memory_space<hbm>>
      %dma_start3A_66 = tpu.memref_slice %arg3[%add3A_58] : memref<131072xi32, #tpu.memory_space<hbm>> -> memref<512xi32, #tpu.memory_space<hbm>>
      tpu.enqueue_dma source(%dma_start3A_66 : memref<512xi32, #tpu.memory_space<hbm>>) target(%arg5 : memref<512xi32, #tpu.memory_space<vmem>>) target_semaphore(%run_scoped3A : memref<!tpu.dma_semaphore, #tpu.memory_space<semaphore_mem>>)
      %dma_wait3A_67 = tpu.memref_slice %arg3[%add3A_58] : memref<131072xi32, #tpu.memory_space<hbm>> -> memref<512xi32, #tpu.memory_space<hbm>>
      %dma_wait3A_68 = tpu.memref_slice %arg3[%add3A_58] : memref<131072xi32, #tpu.memory_space<hbm>> -> memref<512xi32, #tpu.memory_space<hbm>>
      tpu.wait_dma2 semaphore(%run_scoped3A : memref<!tpu.dma_semaphore, #tpu.memory_space<semaphore_mem>>) src(%dma_wait3A_68 : memref<512xi32, #tpu.memory_space<hbm>>) dst(%arg5 : memref<512xi32, #tpu.memory_space<vmem>>)
      tpu.yield
    }) : () -> ()
    %dma_start3A_59 = arith.constant 0 : i32
    %dma_start3A_60 = arith.constant 0 : i32
    %dma_start3A_61 = tpu.memref_slice %arg2[%dma_start3A_59, %dma_start3A_60] : memref<16384x128xf32, #tpu.memory_space<hbm>> -> memref<16384x128xf32, #tpu.memory_space<hbm>>
    tpu.enqueue_indirect_dma source(%dma_start3A_61 : memref<16384x128xf32, #tpu.memory_space<hbm>>) target(%arg6 : memref<512x128xf32, #tpu.memory_space<vmem>>) offsets(%arg5 : memref<512xi32, #tpu.memory_space<vmem>>) semaphore(%arg7 : memref<!tpu.dma_semaphore, #tpu.memory_space<semaphore_mem>>)
    %dma_wait3A_62 = arith.constant 0 : i32
    %dma_wait3A_63 = arith.constant 0 : i32
    %dma_wait3A_64 = tpu.memref_slice %arg2[%dma_wait3A_62, %dma_wait3A_63] : memref<16384x128xf32, #tpu.memory_space<hbm>> -> memref<16384x128xf32, #tpu.memory_space<hbm>>
    tpu.wait_indirect_dma semaphore(%arg7 : memref<!tpu.dma_semaphore, #tpu.memory_space<semaphore_mem>>) src(%dma_wait3A_64 : memref<16384x128xf32, #tpu.memory_space<hbm>>) dst(%arg6 : memref<512x128xf32, #tpu.memory_space<vmem>>)
    "tpu.region"() ({
      %run_scoped3A = tpu.sem_alloc : memref<!tpu.dma_semaphore, #tpu.memory_space<semaphore_mem>>
      %dma_start3A_65 = arith.constant 0 : i32
      %dma_start3A_66 = tpu.memref_slice %arg4[%add3A_58, %dma_start3A_65] : memref<131072x128xf32, #tpu.memory_space<hbm>> -> memref<512x128xf32, #tpu.memory_space<hbm>>
      %dma_start3A_67 = arith.constant 0 : i32
      %dma_start3A_68 = tpu.memref_slice %arg4[%add3A_58, %dma_start3A_67] : memref<131072x128xf32, #tpu.memory_space<hbm>> -> memref<512x128xf32, #tpu.memory_space<hbm>>
      tpu.enqueue_dma source(%arg6 : memref<512x128xf32, #tpu.memory_space<vmem>>) target(%dma_start3A_68 : memref<512x128xf32, #tpu.memory_space<hbm>>) target_semaphore(%run_scoped3A : memref<!tpu.dma_semaphore, #tpu.memory_space<semaphore_mem>>)
      %dma_wait3A_69 = arith.constant 0 : i32
      %dma_wait3A_70 = tpu.memref_slice %arg4[%add3A_58, %dma_wait3A_69] : memref<131072x128xf32, #tpu.memory_space<hbm>> -> memref<512x128xf32, #tpu.memory_space<hbm>>
      %dma_wait3A_71 = arith.constant 0 : i32
      %dma_wait3A_72 = tpu.memref_slice %arg4[%add3A_58, %dma_wait3A_71] : memref<131072x128xf32, #tpu.memory_space<hbm>> -> memref<512x128xf32, #tpu.memory_space<hbm>>
      tpu.wait_dma2 semaphore(%run_scoped3A : memref<!tpu.dma_semaphore, #tpu.memory_space<semaphore_mem>>) src(%arg6 : memref<512x128xf32, #tpu.memory_space<vmem>>) dst(%dma_wait3A_72 : memref<512x128xf32, #tpu.memory_space<hbm>>)
      tpu.yield
    }) : () -> ()
    return
  }
}

module attributes {stable_mosaic.version = 14 : i64} {
  func.func @_sel_body(%arg0: i32, %arg1: i32, %arg2: memref<1x128x4096xf32, #tpu.memory_space<vmem>>, %arg3: memref<1x128x32xi32, #tpu.memory_space<vmem>>, %arg4: memref<1x128x1xf32, #tpu.memory_space<vmem>>) attributes {dimension_semantics = [#tpu.dimension_semantics<arbitrary>, #tpu.dimension_semantics<arbitrary>], iteration_bounds = array<i64: 4, 8>, scalar_prefetch = 0 : i64, scratch_operands = 0 : i64, tpu.core_type = #tpu.core_type<tc>, window_params = [{transform_indices = @transform_0, window_bounds = array<i64: 1, 128, 4096>}, {transform_indices = @transform_1, window_bounds = array<i64: 1, 128, 32>}, {transform_indices = @transform_2, window_bounds = array<i64: 1, 128, 1>}]} {
    %get3A = arith.constant 0 : index
    %get3A_0 = arith.constant 0 : index
    %get3A_1 = arith.constant 0 : index
    %get3A_2 = vector.load %arg2[%get3A, %get3A_0, %get3A_1] : memref<1x128x4096xf32, #tpu.memory_space<vmem>>, vector<1x128x4096xf32>
    %get3A_3 = vector.shape_cast %get3A_2 : vector<1x128x4096xf32> to vector<128x4096xf32>
    %lt3A = arith.constant 4.000000e-02 : f32
    %lt3A_4 = vector.broadcast %lt3A : f32 to vector<128x4096xf32>
    %lt3A_5 = arith.cmpf olt, %get3A_3, %lt3A_4 : vector<128x4096xf32>
    %convert_element_type3A = arith.extui %lt3A_5 : vector<128x4096xi1> to vector<128x4096xi32>
    %convert_element_type3A_6 = arith.sitofp %convert_element_type3A : vector<128x4096xi32> to vector<128x4096xf32>
    %broadcast_in_dim3A = arith.constant 0.000000e+00 : f32
    %broadcast_in_dim3A_7 = vector.broadcast %broadcast_in_dim3A : f32 to vector<128x1xf32>
    %slice3A = vector.extract_strided_slice %convert_element_type3A_6 {offsets = [0, 0], sizes = [128, 4095], strides = [1, 1]} : vector<128x4096xf32> to vector<128x4095xf32>
    %concatenate3A = tpu.concatenate %broadcast_in_dim3A_7, %slice3A in 1 : vector<128x1xf32>, vector<128x4095xf32> -> vector<128x4096xf32>
    %add3A = arith.addf %convert_element_type3A_6, %concatenate3A : vector<128x4096xf32>
    %broadcast_in_dim3A_8 = arith.constant 0.000000e+00 : f32
    %broadcast_in_dim3A_9 = vector.broadcast %broadcast_in_dim3A_8 : f32 to vector<128x2xf32>
    %slice3A_10 = vector.extract_strided_slice %add3A {offsets = [0, 0], sizes = [128, 4094], strides = [1, 1]} : vector<128x4096xf32> to vector<128x4094xf32>
    %concatenate3A_11 = tpu.concatenate %broadcast_in_dim3A_9, %slice3A_10 in 1 : vector<128x2xf32>, vector<128x4094xf32> -> vector<128x4096xf32>
    %add3A_12 = arith.addf %add3A, %concatenate3A_11 : vector<128x4096xf32>
    %broadcast_in_dim3A_13 = arith.constant 0.000000e+00 : f32
    %broadcast_in_dim3A_14 = vector.broadcast %broadcast_in_dim3A_13 : f32 to vector<128x4xf32>
    %slice3A_15 = vector.extract_strided_slice %add3A_12 {offsets = [0, 0], sizes = [128, 4092], strides = [1, 1]} : vector<128x4096xf32> to vector<128x4092xf32>
    %concatenate3A_16 = tpu.concatenate %broadcast_in_dim3A_14, %slice3A_15 in 1 : vector<128x4xf32>, vector<128x4092xf32> -> vector<128x4096xf32>
    %add3A_17 = arith.addf %add3A_12, %concatenate3A_16 : vector<128x4096xf32>
    %broadcast_in_dim3A_18 = arith.constant 0.000000e+00 : f32
    %broadcast_in_dim3A_19 = vector.broadcast %broadcast_in_dim3A_18 : f32 to vector<128x8xf32>
    %slice3A_20 = vector.extract_strided_slice %add3A_17 {offsets = [0, 0], sizes = [128, 4088], strides = [1, 1]} : vector<128x4096xf32> to vector<128x4088xf32>
    %concatenate3A_21 = tpu.concatenate %broadcast_in_dim3A_19, %slice3A_20 in 1 : vector<128x8xf32>, vector<128x4088xf32> -> vector<128x4096xf32>
    %add3A_22 = arith.addf %add3A_17, %concatenate3A_21 : vector<128x4096xf32>
    %broadcast_in_dim3A_23 = arith.constant 0.000000e+00 : f32
    %broadcast_in_dim3A_24 = vector.broadcast %broadcast_in_dim3A_23 : f32 to vector<128x16xf32>
    %slice3A_25 = vector.extract_strided_slice %add3A_22 {offsets = [0, 0], sizes = [128, 4080], strides = [1, 1]} : vector<128x4096xf32> to vector<128x4080xf32>
    %concatenate3A_26 = tpu.concatenate %broadcast_in_dim3A_24, %slice3A_25 in 1 : vector<128x16xf32>, vector<128x4080xf32> -> vector<128x4096xf32>
    %add3A_27 = arith.addf %add3A_22, %concatenate3A_26 : vector<128x4096xf32>
    %broadcast_in_dim3A_28 = arith.constant 0.000000e+00 : f32
    %broadcast_in_dim3A_29 = vector.broadcast %broadcast_in_dim3A_28 : f32 to vector<128x32xf32>
    %slice3A_30 = vector.extract_strided_slice %add3A_27 {offsets = [0, 0], sizes = [128, 4064], strides = [1, 1]} : vector<128x4096xf32> to vector<128x4064xf32>
    %concatenate3A_31 = tpu.concatenate %broadcast_in_dim3A_29, %slice3A_30 in 1 : vector<128x32xf32>, vector<128x4064xf32> -> vector<128x4096xf32>
    %add3A_32 = arith.addf %add3A_27, %concatenate3A_31 : vector<128x4096xf32>
    %broadcast_in_dim3A_33 = arith.constant 0.000000e+00 : f32
    %broadcast_in_dim3A_34 = vector.broadcast %broadcast_in_dim3A_33 : f32 to vector<128x64xf32>
    %slice3A_35 = vector.extract_strided_slice %add3A_32 {offsets = [0, 0], sizes = [128, 4032], strides = [1, 1]} : vector<128x4096xf32> to vector<128x4032xf32>
    %concatenate3A_36 = tpu.concatenate %broadcast_in_dim3A_34, %slice3A_35 in 1 : vector<128x64xf32>, vector<128x4032xf32> -> vector<128x4096xf32>
    %add3A_37 = arith.addf %add3A_32, %concatenate3A_36 : vector<128x4096xf32>
    %broadcast_in_dim3A_38 = arith.constant 0.000000e+00 : f32
    %broadcast_in_dim3A_39 = vector.broadcast %broadcast_in_dim3A_38 : f32 to vector<128x128xf32>
    %slice3A_40 = vector.extract_strided_slice %add3A_37 {offsets = [0, 0], sizes = [128, 3968], strides = [1, 1]} : vector<128x4096xf32> to vector<128x3968xf32>
    %concatenate3A_41 = tpu.concatenate %broadcast_in_dim3A_39, %slice3A_40 in 1 : vector<128x128xf32>, vector<128x3968xf32> -> vector<128x4096xf32>
    %add3A_42 = arith.addf %add3A_37, %concatenate3A_41 : vector<128x4096xf32>
    %broadcast_in_dim3A_43 = arith.constant 0.000000e+00 : f32
    %broadcast_in_dim3A_44 = vector.broadcast %broadcast_in_dim3A_43 : f32 to vector<128x256xf32>
    %slice3A_45 = vector.extract_strided_slice %add3A_42 {offsets = [0, 0], sizes = [128, 3840], strides = [1, 1]} : vector<128x4096xf32> to vector<128x3840xf32>
    %concatenate3A_46 = tpu.concatenate %broadcast_in_dim3A_44, %slice3A_45 in 1 : vector<128x256xf32>, vector<128x3840xf32> -> vector<128x4096xf32>
    %add3A_47 = arith.addf %add3A_42, %concatenate3A_46 : vector<128x4096xf32>
    %broadcast_in_dim3A_48 = arith.constant 0.000000e+00 : f32
    %broadcast_in_dim3A_49 = vector.broadcast %broadcast_in_dim3A_48 : f32 to vector<128x512xf32>
    %slice3A_50 = vector.extract_strided_slice %add3A_47 {offsets = [0, 0], sizes = [128, 3584], strides = [1, 1]} : vector<128x4096xf32> to vector<128x3584xf32>
    %concatenate3A_51 = tpu.concatenate %broadcast_in_dim3A_49, %slice3A_50 in 1 : vector<128x512xf32>, vector<128x3584xf32> -> vector<128x4096xf32>
    %add3A_52 = arith.addf %add3A_47, %concatenate3A_51 : vector<128x4096xf32>
    %broadcast_in_dim3A_53 = arith.constant 0.000000e+00 : f32
    %broadcast_in_dim3A_54 = vector.broadcast %broadcast_in_dim3A_53 : f32 to vector<128x1024xf32>
    %slice3A_55 = vector.extract_strided_slice %add3A_52 {offsets = [0, 0], sizes = [128, 3072], strides = [1, 1]} : vector<128x4096xf32> to vector<128x3072xf32>
    %concatenate3A_56 = tpu.concatenate %broadcast_in_dim3A_54, %slice3A_55 in 1 : vector<128x1024xf32>, vector<128x3072xf32> -> vector<128x4096xf32>
    %add3A_57 = arith.addf %add3A_52, %concatenate3A_56 : vector<128x4096xf32>
    %broadcast_in_dim3A_58 = arith.constant 0.000000e+00 : f32
    %broadcast_in_dim3A_59 = vector.broadcast %broadcast_in_dim3A_58 : f32 to vector<128x2048xf32>
    %slice3A_60 = vector.extract_strided_slice %add3A_57 {offsets = [0, 0], sizes = [128, 2048], strides = [1, 1]} : vector<128x4096xf32> to vector<128x2048xf32>
    %concatenate3A_61 = tpu.concatenate %broadcast_in_dim3A_59, %slice3A_60 in 1 : vector<128x2048xf32>, vector<128x2048xf32> -> vector<128x4096xf32>
    %add3A_62 = arith.addf %add3A_57, %concatenate3A_61 : vector<128x4096xf32>
    %slice3A_63 = vector.extract_strided_slice %add3A_62 {offsets = [0, 4095], sizes = [128, 1], strides = [1, 1]} : vector<128x4096xf32> to vector<128x1xf32>
    %le3A = arith.constant 3.200000e+01 : f32
    %le3A_64 = vector.broadcast %le3A : f32 to vector<128x4096xf32>
    %le3A_65 = arith.cmpf ole, %add3A_62, %le3A_64 : vector<128x4096xf32>
    %and3A = arith.andi %lt3A_5, %le3A_65 : vector<128x4096xi1>
    %iota3A = tpu.iota {dimensions = array<i32: 1>} : vector<128x4096xi32>
    %convert_element_type3A_66 = arith.sitofp %iota3A : vector<128x4096xi32> to vector<128x4096xf32>
    %iota3A_67 = tpu.iota {dimensions = array<i32: 1>} : vector<1x32xi32>
    %eq3A = arith.constant 1.000000e+00 : f32
    %eq3A_68 = vector.broadcast %eq3A : f32 to vector<128x4096xf32>
    %eq3A_69 = arith.cmpf oeq, %add3A_62, %eq3A_68 : vector<128x4096xf32>
    %and3A_70 = arith.andi %and3A, %eq3A_69 : vector<128x4096xi1>
    %jit3A = arith.constant 0.000000e+00 : f32
    %broadcast_in_dim3A_71 = vector.broadcast %jit3A : f32 to vector<128x4096xf32>
    %select_n3A = arith.select %and3A_70, %convert_element_type3A_66, %broadcast_in_dim3A_71 : vector<128x4096xi1>, vector<128x4096xf32>
    %reduce_sum3A = arith.constant dense<0.000000e+00> : vector<128xf32>
    %reduce_sum3A_72 = vector.multi_reduction <add>, %select_n3A, %reduce_sum3A [1] : vector<128x4096xf32> to vector<128xf32>
    %broadcast_in_dim3A_73 = vector.shape_cast %reduce_sum3A_72 : vector<128xf32> to vector<128x1xf32>
    %broadcast_in_dim3A_74 = arith.constant 0.000000e+00 : f32
    %broadcast_in_dim3A_75 = vector.broadcast %broadcast_in_dim3A_74 : f32 to vector<128x32xf32>
    %scan3A = arith.constant 0 : i32
    %scan3A_76 = arith.constant 32 : i32
    %scan3A_77 = arith.addi %scan3A, %scan3A_76 : i32
    %scan3A_78 = arith.constant 1 : i32
    %scan3A_79 = scf.for %scan3A_97 = %scan3A to %scan3A_77 step %scan3A_78 iter_args(%scan3A_98 = %broadcast_in_dim3A_75) -> (vector<128x32xf32>)  : i32 {
      %convert_element_type3A_99 = arith.sitofp %scan3A_97 : i32 to f32
      %add3A_100 = arith.constant 1.000000e+00 : f32
      %add3A_101 = arith.addf %convert_element_type3A_99, %add3A_100 : f32
      %eq3A_102 = vector.broadcast %add3A_101 : f32 to vector<128x4096xf32>
      %eq3A_103 = arith.cmpf oeq, %add3A_62, %eq3A_102 : vector<128x4096xf32>
      %and3A_104 = arith.andi %and3A, %eq3A_103 : vector<128x4096xi1>
      %jit3A_105 = arith.constant 0.000000e+00 : f32
      %broadcast_in_dim3A_106 = vector.broadcast %jit3A_105 : f32 to vector<128x4096xf32>
      %select_n3A_107 = arith.select %and3A_104, %convert_element_type3A_66, %broadcast_in_dim3A_106 : vector<128x4096xi1>, vector<128x4096xf32>
      %reduce_sum3A_108 = arith.constant dense<0.000000e+00> : vector<128xf32>
      %reduce_sum3A_109 = vector.multi_reduction <add>, %select_n3A_107, %reduce_sum3A_108 [1] : vector<128x4096xf32> to vector<128xf32>
      %broadcast_in_dim3A_110 = vector.shape_cast %reduce_sum3A_109 : vector<128xf32> to vector<128x1xf32>
      %add3A_111 = arith.constant 1.000000e+00 : f32
      %add3A_112 = arith.addf %convert_element_type3A_99, %add3A_111 : f32
      %ge3A = vector.broadcast %add3A_112 : f32 to vector<128x1xf32>
      %ge3A_113 = arith.cmpf oge, %slice3A_63, %ge3A : vector<128x1xf32>
      %select_n3A_114 = arith.select %ge3A_113, %broadcast_in_dim3A_110, %broadcast_in_dim3A_73 : vector<128x1xi1>, vector<128x1xf32>
      %eq3A_115 = vector.broadcast %scan3A_97 : i32 to vector<1x32xi32>
      %eq3A_116 = arith.cmpi eq, %iota3A_67, %eq3A_115 : vector<1x32xi32>
      %broadcast_in_dim3A_117 = vector.shape_cast %eq3A_116 : vector<1x32xi1> to vector<1x32xi1>
      %broadcast_in_dim3A_118 = vector.broadcast %broadcast_in_dim3A_117 : vector<1x32xi1> to vector<128x32xi1>
      %broadcast_in_dim3A_119 = vector.shape_cast %select_n3A_114 : vector<128x1xf32> to vector<128x1xf32>
      %broadcast_in_dim3A_120 = vector.broadcast %broadcast_in_dim3A_119 : vector<128x1xf32> to vector<128x32xf32>
      %select_n3A_121 = arith.select %broadcast_in_dim3A_118, %broadcast_in_dim3A_120, %scan3A_98 : vector<128x32xi1>, vector<128x32xf32>
      scf.yield %select_n3A_121 : vector<128x32xf32>
    }
    %scan3A_80 = arith.constant 32 : i32
    %convert_element_type3A_81 = arith.sitofp %arg0 : i32 to f32
    %mul3A = arith.constant 4.096000e+03 : f32
    %mul3A_82 = arith.mulf %mul3A, %convert_element_type3A_81 : f32
    %add3A_83 = vector.broadcast %mul3A_82 : f32 to vector<128x32xf32>
    %add3A_84 = arith.addf %scan3A_79, %add3A_83 : vector<128x32xf32>
    %convert_element_type3A_85 = arith.fptosi %add3A_84 : vector<128x32xf32> to vector<128x32xi32>
    %swap3A = arith.constant 0 : index
    %swap3A_86 = arith.constant 0 : index
    %swap3A_87 = arith.constant 0 : index
    %swap3A_88 = vector.load %arg3[%swap3A, %swap3A_86, %swap3A_87] : memref<1x128x32xi32, #tpu.memory_space<vmem>>, vector<1x128x32xi32>
    %swap3A_89 = vector.shape_cast %swap3A_88 : vector<1x128x32xi32> to vector<128x32xi32>
    %swap3A_90 = vector.shape_cast %convert_element_type3A_85 : vector<128x32xi32> to vector<1x128x32xi32>
    tpu.vector_store %arg3[%swap3A, %swap3A_86, %swap3A_87], %swap3A_90 {strides = array<i32>} : memref<1x128x32xi32, #tpu.memory_space<vmem>>, vector<1x128x32xi32>,
    %swap3A_91 = arith.constant 0 : index
    %swap3A_92 = arith.constant 0 : index
    %swap3A_93 = arith.constant 0 : index
    %swap3A_94 = vector.load %arg4[%swap3A_91, %swap3A_92, %swap3A_93] : memref<1x128x1xf32, #tpu.memory_space<vmem>>, vector<1x128x1xf32>
    %swap3A_95 = vector.shape_cast %swap3A_94 : vector<1x128x1xf32> to vector<128x1xf32>
    %swap3A_96 = vector.shape_cast %slice3A_63 : vector<128x1xf32> to vector<1x128x1xf32>
    tpu.vector_store %arg4[%swap3A_91, %swap3A_92, %swap3A_93], %swap3A_96 {strides = array<i32>} : memref<1x128x1xf32, #tpu.memory_space<vmem>>, vector<1x128x1xf32>,
    return
  }
  func.func @transform_0(%arg0: i32, %arg1: i32) -> (i32, i32, i32) {
    %c0_i32 = arith.constant 0 : i32
    %c0_i32_0 = arith.constant 0 : i32
    return %arg0, %arg1, %c0_i32 : i32, i32, i32
  }
  func.func @transform_1(%arg0: i32, %arg1: i32) -> (i32, i32, i32) {
    %c0_i32 = arith.constant 0 : i32
    %c0_i32_0 = arith.constant 0 : i32
    return %arg0, %arg1, %c0_i32 : i32, i32, i32
  }
  func.func @transform_2(%arg0: i32, %arg1: i32) -> (i32, i32, i32) {
    %c0_i32 = arith.constant 0 : i32
    %c0_i32_0 = arith.constant 0 : i32
    return %arg0, %arg1, %c0_i32 : i32, i32, i32
  }
}

module attributes {stable_mosaic.version = 14 : i64} {
  func.func @_agg_body(%arg0: i32, %arg1: memref<4096x128xf32, #tpu.memory_space<vmem>>, %arg2: memref<128x128xf32, #tpu.memory_space<vmem>>, %arg3: memref<128x3xf32, #tpu.memory_space<vmem>>, %arg4: memref<128x1xf32, #tpu.memory_space<vmem>>, %arg5: memref<64x128xf32, #tpu.memory_space<vmem>>, %arg6: memref<1x128xf32, #tpu.memory_space<vmem>>, %arg7: memref<128x64xf32, #tpu.memory_space<vmem>>, %arg8: memref<1x64xf32, #tpu.memory_space<vmem>>, %arg9: memref<3x32xf32, #tpu.memory_space<vmem>>, %arg10: memref<1x32xf32, #tpu.memory_space<vmem>>, %arg11: memref<32x1xf32, #tpu.memory_space<vmem>>, %arg12: memref<1x1xf32, #tpu.memory_space<vmem>>, %arg13: memref<64x1xf32, #tpu.memory_space<vmem>>, %arg14: memref<1x1xf32, #tpu.memory_space<vmem>>, %arg15: memref<3x32xf32, #tpu.memory_space<vmem>>, %arg16: memref<1x32xf32, #tpu.memory_space<vmem>>, %arg17: memref<128x160xf32, #tpu.memory_space<vmem>>) attributes {dimension_semantics = [#tpu.dimension_semantics<arbitrary>], iteration_bounds = array<i64: 32>, scalar_prefetch = 0 : i64, scratch_operands = 0 : i64, tpu.core_type = #tpu.core_type<tc>, window_params = [{transform_indices = @transform_0, window_bounds = array<i64: 4096, 128>}, {transform_indices = @transform_1, window_bounds = array<i64: 128, 128>}, {transform_indices = @transform_2, window_bounds = array<i64: 128, 3>}, {transform_indices = @transform_3, window_bounds = array<i64: 128, 1>}, {pipeline_mode = #tpu.pipeline_mode<synchronous>, transform_indices = @transform_4, window_bounds = array<i64: 64, 128>}, {pipeline_mode = #tpu.pipeline_mode<synchronous>, transform_indices = @transform_5, window_bounds = array<i64: 1, 128>}, {pipeline_mode = #tpu.pipeline_mode<synchronous>, transform_indices = @transform_6, window_bounds = array<i64: 128, 64>}, {pipeline_mode = #tpu.pipeline_mode<synchronous>, transform_indices = @transform_7, window_bounds = array<i64: 1, 64>}, {pipeline_mode = #tpu.pipeline_mode<synchronous>, transform_indices = @transform_8, window_bounds = array<i64: 3, 32>}, {pipeline_mode = #tpu.pipeline_mode<synchronous>, transform_indices = @transform_9, window_bounds = array<i64: 1, 32>}, {pipeline_mode = #tpu.pipeline_mode<synchronous>, transform_indices = @transform_10, window_bounds = array<i64: 32, 1>}, {pipeline_mode = #tpu.pipeline_mode<synchronous>, transform_indices = @transform_11, window_bounds = array<i64: 1, 1>}, {pipeline_mode = #tpu.pipeline_mode<synchronous>, transform_indices = @transform_12, window_bounds = array<i64: 64, 1>}, {pipeline_mode = #tpu.pipeline_mode<synchronous>, transform_indices = @transform_13, window_bounds = array<i64: 1, 1>}, {pipeline_mode = #tpu.pipeline_mode<synchronous>, transform_indices = @transform_14, window_bounds = array<i64: 3, 32>}, {pipeline_mode = #tpu.pipeline_mode<synchronous>, transform_indices = @transform_15, window_bounds = array<i64: 1, 32>}, {transform_indices = @transform_16, window_bounds = array<i64: 128, 160>}]} {
    %get3A = arith.constant 0 : index
    %get3A_0 = arith.constant 0 : index
    %get3A_1 = vector.load %arg1[%get3A, %get3A_0] : memref<4096x128xf32, #tpu.memory_space<vmem>>, vector<4096x128xf32>
    %slice3A = vector.extract_strided_slice %get3A_1 {offsets = [0, 0], sizes = [4096, 64], strides = [1, 1]} : vector<4096x128xf32> to vector<4096x64xf32>
    %slice3A_2 = vector.extract_strided_slice %get3A_1 {offsets = [0, 64], sizes = [4096, 3], strides = [1, 1]} : vector<4096x128xf32> to vector<4096x3xf32>
    %get3A_3 = arith.constant 0 : index
    %get3A_4 = arith.constant 0 : index
    %get3A_5 = vector.load %arg2[%get3A_3, %get3A_4] : memref<128x128xf32, #tpu.memory_space<vmem>>, vector<128x128xf32>
    %get3A_6 = arith.constant 0 : index
    %get3A_7 = arith.constant 0 : index
    %get3A_8 = vector.load %arg3[%get3A_6, %get3A_7] : memref<128x3xf32, #tpu.memory_space<vmem>>, vector<128x3xf32>
    %get3A_9 = arith.constant 0 : index
    %get3A_10 = arith.constant 0 : index
    %get3A_11 = vector.load %arg4[%get3A_9, %get3A_10] : memref<128x1xf32, #tpu.memory_space<vmem>>, vector<128x1xf32>
    %get3A_12 = arith.constant 0 : index
    %get3A_13 = arith.constant 0 : index
    %get3A_14 = vector.load %arg7[%get3A_12, %get3A_13] : memref<128x64xf32, #tpu.memory_space<vmem>>, vector<128x64xf32>
    %dot_general3A = arith.constant dense<0.000000e+00> : vector<128x64xf32>
    %dot_general3A_15 = tpu.matmul %get3A_5, %get3A_14, %dot_general3A {dimension_numbers = #tpu.dot_dimension_numbers<[1], [0], [0], [1], [0, 0, 1, 1], [], []>, precision = #tpu.contract_precision<fp32>, transpose_lhs_hint = false} : vector<128x128xf32>, vector<128x64xf32>, vector<128x64xf32> -> vector<128x64xf32>
    %get3A_16 = arith.constant 0 : index
    %get3A_17 = arith.constant 0 : index
    %get3A_18 = vector.load %arg8[%get3A_16, %get3A_17] : memref<1x64xf32, #tpu.memory_space<vmem>>, vector<1x64xf32>
    %add3A = vector.broadcast %get3A_18 : vector<1x64xf32> to vector<128x64xf32>
    %add3A_19 = arith.addf %dot_general3A_15, %add3A : vector<128x64xf32>
    %max3A = arith.constant 0.000000e+00 : f32
    %max3A_20 = vector.broadcast %max3A : f32 to vector<128x64xf32>
    %max3A_21 = arith.maximumf %add3A_19, %max3A_20 : vector<128x64xf32>
    %broadcast_in_dim3A = vector.shape_cast %max3A_21 : vector<128x64xf32> to vector<128x1x64xf32>
    %broadcast_in_dim3A_22 = vector.shape_cast %broadcast_in_dim3A : vector<128x1x64xf32> to vector<128x1x64xf32>
    %broadcast_in_dim3A_23 = vector.broadcast %broadcast_in_dim3A_22 : vector<128x1x64xf32> to vector<128x32x64xf32>
    %reshape3A = vector.shape_cast %broadcast_in_dim3A_23 : vector<128x32x64xf32> to vector<4096x64xf32>
    %broadcast_in_dim3A_24 = vector.shape_cast %get3A_8 : vector<128x3xf32> to vector<128x1x3xf32>
    %broadcast_in_dim3A_25 = vector.shape_cast %broadcast_in_dim3A_24 : vector<128x1x3xf32> to vector<128x1x3xf32>
    %broadcast_in_dim3A_26 = vector.broadcast %broadcast_in_dim3A_25 : vector<128x1x3xf32> to vector<128x32x3xf32>
    %reshape3A_27 = vector.shape_cast %broadcast_in_dim3A_26 : vector<128x32x3xf32> to vector<4096x3xf32>
    %sub3A = arith.subf %slice3A_2, %reshape3A_27 : vector<4096x3xf32>
    %sub3A_28 = arith.subf %reshape3A, %slice3A : vector<4096x64xf32>
    %get3A_29 = arith.constant 0 : index
    %get3A_30 = arith.constant 0 : index
    %get3A_31 = vector.load %arg13[%get3A_29, %get3A_30] : memref<64x1xf32, #tpu.memory_space<vmem>>, vector<64x1xf32>
    %dot_general3A_32 = arith.constant dense<0.000000e+00> : vector<4096x1xf32>
    %dot_general3A_33 = tpu.matmul %sub3A_28, %get3A_31, %dot_general3A_32 {dimension_numbers = #tpu.dot_dimension_numbers<[1], [0], [0], [1], [0, 0, 1, 1], [], []>, precision = #tpu.contract_precision<fp32>, transpose_lhs_hint = false} : vector<4096x64xf32>, vector<64x1xf32>, vector<4096x1xf32> -> vector<4096x1xf32>
    %get3A_34 = arith.constant 0 : index
    %get3A_35 = arith.constant 0 : index
    %get3A_36 = vector.load %arg14[%get3A_34, %get3A_35] : memref<1x1xf32, #tpu.memory_space<vmem>>, vector<1x1xf32>
    %add3A_37 = vector.broadcast %get3A_36 : vector<1x1xf32> to vector<4096x1xf32>
    %add3A_38 = arith.addf %dot_general3A_33, %add3A_37 : vector<4096x1xf32>
    %max3A_39 = arith.constant 0.000000e+00 : f32
    %max3A_40 = vector.broadcast %max3A_39 : f32 to vector<4096x1xf32>
    %max3A_41 = arith.maximumf %add3A_38, %max3A_40 : vector<4096x1xf32>
    %get3A_42 = arith.constant 0 : index
    %get3A_43 = arith.constant 0 : index
    %get3A_44 = vector.load %arg9[%get3A_42, %get3A_43] : memref<3x32xf32, #tpu.memory_space<vmem>>, vector<3x32xf32>
    %slice3A_45 = vector.extract_strided_slice %sub3A {offsets = [0, 0], sizes = [4096, 1], strides = [1, 1]} : vector<4096x3xf32> to vector<4096x1xf32>
    %slice3A_46 = vector.extract_strided_slice %get3A_44 {offsets = [0, 0], sizes = [1, 32], strides = [1, 1]} : vector<3x32xf32> to vector<1x32xf32>
    %mul3A = vector.broadcast %slice3A_45 : vector<4096x1xf32> to vector<4096x32xf32>
    %mul3A_47 = vector.broadcast %slice3A_46 : vector<1x32xf32> to vector<4096x32xf32>
    %mul3A_48 = arith.mulf %mul3A, %mul3A_47 : vector<4096x32xf32>
    %slice3A_49 = vector.extract_strided_slice %sub3A {offsets = [0, 1], sizes = [4096, 1], strides = [1, 1]} : vector<4096x3xf32> to vector<4096x1xf32>
    %slice3A_50 = vector.extract_strided_slice %get3A_44 {offsets = [1, 0], sizes = [1, 32], strides = [1, 1]} : vector<3x32xf32> to vector<1x32xf32>
    %mul3A_51 = vector.broadcast %slice3A_49 : vector<4096x1xf32> to vector<4096x32xf32>
    %mul3A_52 = vector.broadcast %slice3A_50 : vector<1x32xf32> to vector<4096x32xf32>
    %mul3A_53 = arith.mulf %mul3A_51, %mul3A_52 : vector<4096x32xf32>
    %add3A_54 = arith.addf %mul3A_48, %mul3A_53 : vector<4096x32xf32>
    %slice3A_55 = vector.extract_strided_slice %sub3A {offsets = [0, 2], sizes = [4096, 1], strides = [1, 1]} : vector<4096x3xf32> to vector<4096x1xf32>
    %slice3A_56 = vector.extract_strided_slice %get3A_44 {offsets = [2, 0], sizes = [1, 32], strides = [1, 1]} : vector<3x32xf32> to vector<1x32xf32>
    %mul3A_57 = vector.broadcast %slice3A_55 : vector<4096x1xf32> to vector<4096x32xf32>
    %mul3A_58 = vector.broadcast %slice3A_56 : vector<1x32xf32> to vector<4096x32xf32>
    %mul3A_59 = arith.mulf %mul3A_57, %mul3A_58 : vector<4096x32xf32>
    %add3A_60 = arith.addf %add3A_54, %mul3A_59 : vector<4096x32xf32>
    %get3A_61 = arith.constant 0 : index
    %get3A_62 = arith.constant 0 : index
    %get3A_63 = vector.load %arg10[%get3A_61, %get3A_62] : memref<1x32xf32, #tpu.memory_space<vmem>>, vector<1x32xf32>
    %add3A_64 = vector.broadcast %get3A_63 : vector<1x32xf32> to vector<4096x32xf32>
    %add3A_65 = arith.addf %add3A_60, %add3A_64 : vector<4096x32xf32>
    %max3A_66 = arith.constant 0.000000e+00 : f32
    %max3A_67 = vector.broadcast %max3A_66 : f32 to vector<4096x32xf32>
    %max3A_68 = arith.maximumf %add3A_65, %max3A_67 : vector<4096x32xf32>
    %get3A_69 = arith.constant 0 : index
    %get3A_70 = arith.constant 0 : index
    %get3A_71 = vector.load %arg11[%get3A_69, %get3A_70] : memref<32x1xf32, #tpu.memory_space<vmem>>, vector<32x1xf32>
    %dot_general3A_72 = arith.constant dense<0.000000e+00> : vector<4096x1xf32>
    %dot_general3A_73 = tpu.matmul %max3A_68, %get3A_71, %dot_general3A_72 {dimension_numbers = #tpu.dot_dimension_numbers<[1], [0], [0], [1], [0, 0, 1, 1], [], []>, precision = #tpu.contract_precision<fp32>, transpose_lhs_hint = false} : vector<4096x32xf32>, vector<32x1xf32>, vector<4096x1xf32> -> vector<4096x1xf32>
    %get3A_74 = arith.constant 0 : index
    %get3A_75 = arith.constant 0 : index
    %get3A_76 = vector.load %arg12[%get3A_74, %get3A_75] : memref<1x1xf32, #tpu.memory_space<vmem>>, vector<1x1xf32>
    %add3A_77 = vector.broadcast %get3A_76 : vector<1x1xf32> to vector<4096x1xf32>
    %add3A_78 = arith.addf %dot_general3A_73, %add3A_77 : vector<4096x1xf32>
    %max3A_79 = arith.constant 0.000000e+00 : f32
    %max3A_80 = vector.broadcast %max3A_79 : f32 to vector<4096x1xf32>
    %max3A_81 = arith.maximumf %add3A_78, %max3A_80 : vector<4096x1xf32>
    %mul3A_82 = arith.mulf %sub3A, %sub3A : vector<4096x3xf32>
    %reduce_sum3A = arith.constant dense<0.000000e+00> : vector<4096xf32>
    %reduce_sum3A_83 = vector.multi_reduction <add>, %mul3A_82, %reduce_sum3A [1] : vector<4096x3xf32> to vector<4096xf32>
    %broadcast_in_dim3A_84 = vector.shape_cast %reduce_sum3A_83 : vector<4096xf32> to vector<4096x1xf32>
    %sqrt3A = math.sqrt %broadcast_in_dim3A_84 : vector<4096x1xf32>
    %add3A_85 = arith.constant 9.99999993E-9 : f32
    %add3A_86 = vector.broadcast %add3A_85 : f32 to vector<4096x1xf32>
    %add3A_87 = arith.addf %sqrt3A, %add3A_86 : vector<4096x1xf32>
    %div3A = arith.constant 1.000000e+00 : f32
    %div3A_88 = vector.broadcast %div3A : f32 to vector<4096x1xf32>
    %div3A_89 = arith.divf %div3A_88, %add3A_87 : vector<4096x1xf32>
    %get3A_90 = arith.constant 0 : index
    %get3A_91 = arith.constant 0 : index
    %get3A_92 = vector.load %arg5[%get3A_90, %get3A_91] : memref<64x128xf32, #tpu.memory_space<vmem>>, vector<64x128xf32>
    %dot_general3A_93 = arith.constant dense<0.000000e+00> : vector<4096x128xf32>
    %dot_general3A_94 = tpu.matmul %slice3A, %get3A_92, %dot_general3A_93 {dimension_numbers = #tpu.dot_dimension_numbers<[1], [0], [0], [1], [0, 0, 1, 1], [], []>, precision = #tpu.contract_precision<fp32>, transpose_lhs_hint = false} : vector<4096x64xf32>, vector<64x128xf32>, vector<4096x128xf32> -> vector<4096x128xf32>
    %get3A_95 = arith.constant 0 : index
    %get3A_96 = arith.constant 0 : index
    %get3A_97 = vector.load %arg6[%get3A_95, %get3A_96] : memref<1x128xf32, #tpu.memory_space<vmem>>, vector<1x128xf32>
    %add3A_98 = vector.broadcast %get3A_97 : vector<1x128xf32> to vector<4096x128xf32>
    %add3A_99 = arith.addf %dot_general3A_94, %add3A_98 : vector<4096x128xf32>
    %max3A_100 = arith.constant 0.000000e+00 : f32
    %max3A_101 = vector.broadcast %max3A_100 : f32 to vector<4096x128xf32>
    %max3A_102 = arith.maximumf %add3A_99, %max3A_101 : vector<4096x128xf32>
    %mul3A_103 = arith.mulf %div3A_89, %max3A_41 : vector<4096x1xf32>
    %mul3A_104 = arith.mulf %mul3A_103, %max3A_81 : vector<4096x1xf32>
    %mul3A_105 = vector.broadcast %mul3A_104 : vector<4096x1xf32> to vector<4096x128xf32>
    %mul3A_106 = arith.mulf %mul3A_105, %max3A_102 : vector<4096x128xf32>
    %reshape3A_107 = vector.shape_cast %mul3A_106 : vector<4096x128xf32> to vector<128x32x128xf32>
    %reduce_sum3A_108 = arith.constant dense<0.000000e+00> : vector<128x128xf32>
    %reduce_sum3A_109 = vector.multi_reduction <add>, %reshape3A_107, %reduce_sum3A_108 [1] : vector<128x32x128xf32> to vector<128x128xf32>
    %reshape3A_110 = vector.shape_cast %div3A_89 : vector<4096x1xf32> to vector<128x32x1xf32>
    %reduce_sum3A_111 = arith.constant dense<0.000000e+00> : vector<128x1xf32>
    %reduce_sum3A_112 = vector.multi_reduction <add>, %reshape3A_110, %reduce_sum3A_111 [1] : vector<128x32x1xf32> to vector<128x1xf32>
    %gt3A = arith.constant 0.000000e+00 : f32
    %gt3A_113 = vector.broadcast %gt3A : f32 to vector<128x1xf32>
    %gt3A_114 = arith.cmpf ogt, %get3A_11, %gt3A_113 : vector<128x1xf32>
    %div3A_115 = vector.broadcast %reduce_sum3A_112 : vector<128x1xf32> to vector<128x128xf32>
    %div3A_116 = arith.divf %reduce_sum3A_109, %div3A_115 : vector<128x128xf32>
    %jit3A = arith.constant 0.000000e+00 : f32
    %broadcast_in_dim3A_117 = vector.shape_cast %gt3A_114 : vector<128x1xi1> to vector<128x1xi1>
    %broadcast_in_dim3A_118 = vector.broadcast %broadcast_in_dim3A_117 : vector<128x1xi1> to vector<128x128xi1>
    %broadcast_in_dim3A_119 = vector.broadcast %jit3A : f32 to vector<128x128xf32>
    %select_n3A = arith.select %broadcast_in_dim3A_118, %div3A_116, %broadcast_in_dim3A_119 : vector<128x128xi1>, vector<128x128xf32>
    %get3A_120 = arith.constant 0 : index
    %get3A_121 = arith.constant 0 : index
    %get3A_122 = vector.load %arg15[%get3A_120, %get3A_121] : memref<3x32xf32, #tpu.memory_space<vmem>>, vector<3x32xf32>
    %slice3A_123 = vector.extract_strided_slice %sub3A {offsets = [0, 0], sizes = [4096, 1], strides = [1, 1]} : vector<4096x3xf32> to vector<4096x1xf32>
    %slice3A_124 = vector.extract_strided_slice %get3A_122 {offsets = [0, 0], sizes = [1, 32], strides = [1, 1]} : vector<3x32xf32> to vector<1x32xf32>
    %mul3A_125 = vector.broadcast %slice3A_123 : vector<4096x1xf32> to vector<4096x32xf32>
    %mul3A_126 = vector.broadcast %slice3A_124 : vector<1x32xf32> to vector<4096x32xf32>
    %mul3A_127 = arith.mulf %mul3A_125, %mul3A_126 : vector<4096x32xf32>
    %slice3A_128 = vector.extract_strided_slice %sub3A {offsets = [0, 1], sizes = [4096, 1], strides = [1, 1]} : vector<4096x3xf32> to vector<4096x1xf32>
    %slice3A_129 = vector.extract_strided_slice %get3A_122 {offsets = [1, 0], sizes = [1, 32], strides = [1, 1]} : vector<3x32xf32> to vector<1x32xf32>
    %mul3A_130 = vector.broadcast %slice3A_128 : vector<4096x1xf32> to vector<4096x32xf32>
    %mul3A_131 = vector.broadcast %slice3A_129 : vector<1x32xf32> to vector<4096x32xf32>
    %mul3A_132 = arith.mulf %mul3A_130, %mul3A_131 : vector<4096x32xf32>
    %add3A_133 = arith.addf %mul3A_127, %mul3A_132 : vector<4096x32xf32>
    %slice3A_134 = vector.extract_strided_slice %sub3A {offsets = [0, 2], sizes = [4096, 1], strides = [1, 1]} : vector<4096x3xf32> to vector<4096x1xf32>
    %slice3A_135 = vector.extract_strided_slice %get3A_122 {offsets = [2, 0], sizes = [1, 32], strides = [1, 1]} : vector<3x32xf32> to vector<1x32xf32>
    %mul3A_136 = vector.broadcast %slice3A_134 : vector<4096x1xf32> to vector<4096x32xf32>
    %mul3A_137 = vector.broadcast %slice3A_135 : vector<1x32xf32> to vector<4096x32xf32>
    %mul3A_138 = arith.mulf %mul3A_136, %mul3A_137 : vector<4096x32xf32>
    %add3A_139 = arith.addf %add3A_133, %mul3A_138 : vector<4096x32xf32>
    %get3A_140 = arith.constant 0 : index
    %get3A_141 = arith.constant 0 : index
    %get3A_142 = vector.load %arg16[%get3A_140, %get3A_141] : memref<1x32xf32, #tpu.memory_space<vmem>>, vector<1x32xf32>
    %add3A_143 = vector.broadcast %get3A_142 : vector<1x32xf32> to vector<4096x32xf32>
    %add3A_144 = arith.addf %add3A_139, %add3A_143 : vector<4096x32xf32>
    %max3A_145 = arith.constant 0.000000e+00 : f32
    %max3A_146 = vector.broadcast %max3A_145 : f32 to vector<4096x32xf32>
    %max3A_147 = arith.maximumf %add3A_144, %max3A_146 : vector<4096x32xf32>
    %reshape3A_148 = vector.shape_cast %max3A_147 : vector<4096x32xf32> to vector<128x32x32xf32>
    %reduce_max3A = arith.constant dense<0xFF800000> : vector<128x32xf32>
    %reduce_max3A_149 = vector.multi_reduction <maximumf>, %reshape3A_148, %reduce_max3A [1] : vector<128x32x32xf32> to vector<128x32xf32>
    %concatenate3A = tpu.concatenate %reduce_max3A_149, %select_n3A in 1 : vector<128x32xf32>, vector<128x128xf32> -> vector<128x160xf32>
    %swap3A = arith.constant 0 : index
    %swap3A_150 = arith.constant 0 : index
    %swap3A_151 = vector.load %arg17[%swap3A, %swap3A_150] : memref<128x160xf32, #tpu.memory_space<vmem>>, vector<128x160xf32>
    tpu.vector_store %arg17[%swap3A, %swap3A_150], %concatenate3A {strides = array<i32>} : memref<128x160xf32, #tpu.memory_space<vmem>>, vector<128x160xf32>,
    return
  }
  func.func @transform_0(%arg0: i32) -> (i32, i32) {
    %c0_i32 = arith.constant 0 : i32
    %c0_i32_0 = arith.constant 0 : i32
    return %arg0, %c0_i32 : i32, i32
  }
  func.func @transform_1(%arg0: i32) -> (i32, i32) {
    %c0_i32 = arith.constant 0 : i32
    %c0_i32_0 = arith.constant 0 : i32
    return %arg0, %c0_i32 : i32, i32
  }
  func.func @transform_2(%arg0: i32) -> (i32, i32) {
    %c0_i32 = arith.constant 0 : i32
    %c0_i32_0 = arith.constant 0 : i32
    return %arg0, %c0_i32 : i32, i32
  }
  func.func @transform_3(%arg0: i32) -> (i32, i32) {
    %c0_i32 = arith.constant 0 : i32
    %c0_i32_0 = arith.constant 0 : i32
    return %arg0, %c0_i32 : i32, i32
  }
  func.func @transform_4(%arg0: i32) -> (i32, i32) {
    %c0_i32 = arith.constant 0 : i32
    %c0_i32_0 = arith.constant 0 : i32
    %c0_i32_1 = arith.constant 0 : i32
    return %c0_i32, %c0_i32_0 : i32, i32
  }
  func.func @transform_5(%arg0: i32) -> (i32, i32) {
    %c0_i32 = arith.constant 0 : i32
    %c0_i32_0 = arith.constant 0 : i32
    %c0_i32_1 = arith.constant 0 : i32
    return %c0_i32, %c0_i32_0 : i32, i32
  }
  func.func @transform_6(%arg0: i32) -> (i32, i32) {
    %c0_i32 = arith.constant 0 : i32
    %c0_i32_0 = arith.constant 0 : i32
    %c0_i32_1 = arith.constant 0 : i32
    return %c0_i32, %c0_i32_0 : i32, i32
  }
  func.func @transform_7(%arg0: i32) -> (i32, i32) {
    %c0_i32 = arith.constant 0 : i32
    %c0_i32_0 = arith.constant 0 : i32
    %c0_i32_1 = arith.constant 0 : i32
    return %c0_i32, %c0_i32_0 : i32, i32
  }
  func.func @transform_8(%arg0: i32) -> (i32, i32) {
    %c0_i32 = arith.constant 0 : i32
    %c0_i32_0 = arith.constant 0 : i32
    %c0_i32_1 = arith.constant 0 : i32
    return %c0_i32, %c0_i32_0 : i32, i32
  }
  func.func @transform_9(%arg0: i32) -> (i32, i32) {
    %c0_i32 = arith.constant 0 : i32
    %c0_i32_0 = arith.constant 0 : i32
    %c0_i32_1 = arith.constant 0 : i32
    return %c0_i32, %c0_i32_0 : i32, i32
  }
  func.func @transform_10(%arg0: i32) -> (i32, i32) {
    %c0_i32 = arith.constant 0 : i32
    %c0_i32_0 = arith.constant 0 : i32
    %c0_i32_1 = arith.constant 0 : i32
    return %c0_i32, %c0_i32_0 : i32, i32
  }
  func.func @transform_11(%arg0: i32) -> (i32, i32) {
    %c0_i32 = arith.constant 0 : i32
    %c0_i32_0 = arith.constant 0 : i32
    %c0_i32_1 = arith.constant 0 : i32
    return %c0_i32, %c0_i32_0 : i32, i32
  }
  func.func @transform_12(%arg0: i32) -> (i32, i32) {
    %c0_i32 = arith.constant 0 : i32
    %c0_i32_0 = arith.constant 0 : i32
    %c0_i32_1 = arith.constant 0 : i32
    return %c0_i32, %c0_i32_0 : i32, i32
  }
  func.func @transform_13(%arg0: i32) -> (i32, i32) {
    %c0_i32 = arith.constant 0 : i32
    %c0_i32_0 = arith.constant 0 : i32
    %c0_i32_1 = arith.constant 0 : i32
    return %c0_i32, %c0_i32_0 : i32, i32
  }
  func.func @transform_14(%arg0: i32) -> (i32, i32) {
    %c0_i32 = arith.constant 0 : i32
    %c0_i32_0 = arith.constant 0 : i32
    %c0_i32_1 = arith.constant 0 : i32
    return %c0_i32, %c0_i32_0 : i32, i32
  }
  func.func @transform_15(%arg0: i32) -> (i32, i32) {
    %c0_i32 = arith.constant 0 : i32
    %c0_i32_0 = arith.constant 0 : i32
    %c0_i32_1 = arith.constant 0 : i32
    return %c0_i32, %c0_i32_0 : i32, i32
  }
  func.func @transform_16(%arg0: i32) -> (i32, i32) {
    %c0_i32 = arith.constant 0 : i32
    %c0_i32_0 = arith.constant 0 : i32
    return %arg0, %c0_i32 : i32, i32
  }
}

</mosaic_0001>

<sc_bundles>
// kernel: kernel.5.cloned.1.call-start
scs
__scs_entry_jumppad:
0x0: {  	(pc) =	sbr.rel $0x88, $3  }
0x1: {  	(tag) =	ssettag $0x0;
	lr =	simm.s32 $0x1  }
0x2: {  	[smem:$0x3F91] =	sst lr;
	_ =	strace $0xD0000000  }
0x3: {  	_ = 	snop  }
0x4: {  	_ = 	snop  }
0x5: {  	_ = 	snop  }
0x6: {  	_ = 	snop  }
0x7: {  	_ = 	snop  }
__scs_overlays_trampoline_lowered:
0x8: {  	[smem:$0x3FA0] =	sst s0  }
0x9: {  	[smem:$0x3FA1] =	sst s1  }
0xa: {  	[smem:$0x3FA2] =	sst s2  }
0xb: {  	[smem:$0x3FA3] =	sst s3  }
0xc: {  	[smem:$0x3FA4] =	sst s4  }
0xd: {  	[smem:$0x3FA5] =	sst s5  }
0xe: {  	[smem:$0x3FA6] =	sst s6  }
0xf: {  	[smem:$0x3FA7] =	sst s7  }
0x10: {  	[smem:$0x3FA8] =	sst s8  }
0x11: {  	[smem:$0x3FA9] =	sst s9;
	s0 =	simm.s32 @!p0 $0x0  }
0x12: {  	s1 =	sld [smem:$0x3F8F];
	s0 =	simm.s32 @p0 $0x1  }
0x13: {  	[smem:$0x3FAA] =	sst s0;
	s0 =	simm.s32 @!p1 $0x0  }
0x14: {  	s2 =	sld [smem:$0x3F8E];
	s0 =	simm.s32 @p1 $0x1  }
0x15: {  	[smem:$0x3FAB] =	sst s0;
	s0 =	simm.s32 @!p2 $0x0  }
0x16: {  	s3 =	sld [smem:$0x3FDB];
	s0 =	simm.s32 @p2 $0x1  }
0x17: {  	s4 =	simm.s32 $0x1BF5;
	[smem:$0x3FAD] =	sst s0  }
0x18: {  	s0 =	sld [smem:$0x3F90];
	_ =	swait.ge [sflag:s4], $0x0  }
0x19: {  	s7 =	sld [smem:$0x3F91]  }
0x1a: {  	s8 =	sadd.s32 $0xFFFFE003, lr  }
0x1b: {  	s9 =	sadd.s32 $0xFFFFFEF7, lr;
	s5 =	simm.s32 $0xFFFFFFFF;
	p2 =	slt.u32 s8, $0xFFFFF086  }
0x1c: {  	p1 =	slt.u32 s9, $0xF7A;
	s5 =	simm.s32 @!p2 $0x0  }
0x1d: {  	s5 =	simm.s32 @p1 $0x1;
	p0 =	seq.s32 s7, s2  }
0x1e: {  	s7 =	smul.u32 @!p0 $0xF7A, s2;
	p2 =	seq.s32 @!p0 s5, $0x0  }
0x1f: {  	s9 =	smul.u32 $0xF7A, s1;
	s8 =	simm.s32 @!p0 $0x1BF5;
	p2 =	por !p2, p0  }
0x20: {  	[sflag:s8] =	ssyncset.s32 @!p0 $0xFFFFF086;
	s6 =	sadd.s32 @!p0 s3, s7;
	s7 =	simm.s32 @!p0 $0x108  }
0x21: {  	s3 =	sadd.s32 s3, s9;
	s6 =	sadd.s32 @!p0 $0x88, s6;
	s7 =	simm.s32 @p2 $0x1082  }
0x22: {  	[simem:s7], [sflag:s8] =	dma.local @!p0 [hbm:s6], $0xF7A  }
0x23: {  	s9 =	sor.u32 $0xD0000000, s2;
	s6 =	simm.s32 $0x108;
	_ =	swait.ge @!p0 [sflag:s8], $0x0  }
0x24: {  	s3 =	sadd.s32 $0x88, s3;
	s6 =	simm.s32 @!p1 $0x1082;
	[sflag:s4] =	ssyncset.s32 $0xFFFFF086  }
0x25: {  	[simem:s6], [sflag:s4] =	dma.local [hbm:s3], $0xF7A  }
0x26: {  	[smem:$0x3F91] =	sst s1;
	(tag) =	ssettag s2;
	_ =	strace s9  }
0x27: {  	s1 =	sld [smem:$0x3FA1]  }
0x28: {  	s2 =	sld [smem:$0x3FA2]  }
0x29: {  	s4 =	sld [smem:$0x3FA4]  }
0x2a: {  	p0 =	seq.s32 s5, $0x0;
	s5 =	sld [smem:$0x3FA5]  }
0x2b: {  	s6 =	sld [smem:$0x3FA6]  }
0x2c: {  	s7 =	sld [smem:$0x3FA7]  }
0x2d: {  	s3 =	simm.s32 $0x108;
	s8 =	sld [smem:$0x3FA8]  }
0x2e: {  	s3 =	simm.s32 @!p0 $0x1082;
	s9 =	sld [smem:$0x3FA9]  }
0x2f: {  	lr =	sadd.s32 s0, s3;
	s0 =	sld [smem:$0x3FA0]  }
0x30: {  	s3 =	sld [smem:$0x3FA3]  }
0x31: {  	[smem:$0x3FAC] =	sst s10  }
0x32: {  	s10 =	sld [smem:$0x3FAA];
	_ =	sdelay $0x3  }
0x33: {  	p0 =	seq.s32 s10, $0x1;
	s10 =	sld [smem:$0x3FAC];
	_ =	sdelay $0x3  }
0x34: {  	[smem:$0x3FAC] =	sst s10  }
0x35: {  	s10 =	sld [smem:$0x3FAB];
	_ =	sdelay $0x3  }
0x36: {  	p1 =	seq.s32 s10, $0x1;
	s10 =	sld [smem:$0x3FAC];
	_ =	sdelay $0x3  }
0x37: {  	[smem:$0x3FAC] =	sst s10  }
0x38: {  	s10 =	sld [smem:$0x3FAD]  }
0x39: {  	_ = 	snop;
	(pc) =	sbr.ind lr, $3  }
0x3a: {  	_ = 	snop  }
0x3b: {  	_ = 	snop  }
0x3c: {  	p2 =	seq.s32 s10, $0x1;
	s10 =	sld [smem:$0x3FAC]  }
0x3d: {  	_ =	shalt  }
0x3e: {  	_ =	shalt  }
0x3f: {  	_ =	shalt  }
0x40: {  	_ =	shalt  }
0x41: {  	_ =	shalt  }
0x42: {  	_ =	shalt  }
0x43: {  	_ =	shalt  }
0x44: {  	_ =	shalt  }
0x45: {  	_ =	shalt  }
0x46: {  	_ =	shalt  }
0x47: {  	_ =	shalt  }
0x48: {  	_ =	shalt  }
0x49: {  	_ =	shalt  }
0x4a: {  	_ =	shalt  }
0x4b: {  	_ =	shalt  }
0x4c: {  	_ =	shalt  }
0x4d: {  	_ =	shalt  }
0x4e: {  	_ =	shalt  }
0x4f: {  	_ =	shalt  }
0x50: {  	_ =	shalt  }
0x51: {  	_ =	shalt  }
0x52: {  	_ =	shalt  }
0x53: {  	_ =	shalt  }
0x54: {  	_ =	shalt  }
0x55: {  	_ =	shalt  }
0x56: {  	_ =	shalt  }
0x57: {  	_ =	shalt  }
0x58: {  	_ =	shalt  }
0x59: {  	_ =	shalt  }
0x5a: {  	_ =	shalt  }
0x5b: {  	_ =	shalt  }
0x5c: {  	_ =	shalt  }
0x5d: {  	_ =	shalt  }
0x5e: {  	_ =	shalt  }
0x5f: {  	_ =	shalt  }
0x60: {  	_ =	shalt  }
0x61: {  	_ =	shalt  }
0x62: {  	_ =	shalt  }
0x63: {  	_ =	shalt  }
0x64: {  	_ =	shalt  }
0x65: {  	_ =	shalt  }
0x66: {  	_ =	shalt  }
0x67: {  	_ =	shalt  }
0x68: {  	_ =	shalt  }
0x69: {  	_ =	shalt  }
0x6a: {  	_ =	shalt  }
0x6b: {  	_ =	shalt  }
0x6c: {  	_ =	shalt  }
0x6d: {  	_ =	shalt  }
0x6e: {  	_ =	shalt  }
0x6f: {  	_ =	shalt  }
0x70: {  	_ =	shalt  }
0x71: {  	_ =	shalt  }
0x72: {  	_ =	shalt  }
0x73: {  	_ =	shalt  }
0x74: {  	_ =	shalt  }
0x75: {  	_ =	shalt  }
0x76: {  	_ =	shalt  }
0x77: {  	_ =	shalt  }
0x78: {  	_ =	shalt  }
0x79: {  	_ =	shalt  }
0x7a: {  	_ =	shalt  }
0x7b: {  	_ =	shalt  }
0x7c: {  	_ =	shalt  }
0x7d: {  	_ =	shalt  }
0x7e: {  	_ =	shalt  }
0x7f: {  	_ =	shalt  }
0x80: {  	_ =	shalt  }
0x81: {  	_ =	shalt  }
0x82: {  	_ =	shalt  }
0x83: {  	_ =	shalt  }
0x84: {  	_ =	shalt  }
0x85: {  	_ =	shalt  }
0x86: {  	_ =	shalt  }
0x87: {  	_ =	shalt  }
.Lfunc_end0:
.L_simem_size_0:
called_computation_lowered:
.L_overlay_start_0:
0x88: {  	s2 =	sld [smem:$0x3FD9]  }
0x89: {  	s3 =	sld [smem:$0x3FFE];
	_ =	sdelay $0x1  }
0x8a: {  	s1 =	srdreg.scid  }
0x8b: {  	s0 =	sand.u32 $0x1, s1  }
0x8c: {  	s14 =	sshll.u32 s0, $0xA;
	s2 =	sadd.s32 s3, s2  }
0x8d: {  	s2 =	sadd.s32 s2, s14  }
0x8e: {  	[smem:$0x3FB8] =	sst s2  }
0x8f: {  	_ = 	snop  }
0x90: {  	s2 =	sld [smem:$0x3FD0];
	_ =	sdelay $0x2  }
0x91: {  	s15 =	simm.s32 $0xA;
	s4 =	simm.s32 $0x10  }
0x92: {  	[smem:s4], [sflag:s15] =	dma.local [hbm:s2], $0x1  }
0x93: {  	_ =	swait.eq [sflag:s15], $0x1  }
0x94: {  	[sflag:s15] =	ssyncset.done $0x0  }
0x95: {  	[sflag:s15] =	ssyncadd.s32 $0xFFFFFFFF  }
0x96: {  	s16 =	sld [smem:$0x11];
	(tm) =	ssettm $0x1  }
0x97: {  	s17 =	sld [smem:$0x3FFB];
	_ =	sdelay $0x3  }
0x98: {  	_ =	strace s17  }
0x99: {  	s3 =	sld [smem:$0x3FFC];
	_ =	sdelay $0x3  }
0x9a: {  	_ =	strace s3  }
0x9b: {  	s3 =	sld [smem:$0x3FFD];
	_ =	sdelay $0x3  }
0x9c: {  	_ =	strace s3  }
0x9d: {  	_ =	strace $0x8FFFFFFF  }
0x9e: {  	s18 =	sld [smem:$0x3FDB];
	_ =	sdelay $0x1  }
0x9f: {  	s19 =	simm.s32 $_scs_section_size  }
0xa0: {  	s5 =	simm.s32 $_size__tile_overlayer_lowered;
	s6 =	simm.s32 $_tile_overlayer_lowered  }
0xa1: {  	s22 =	simm.s32 $0x1BFF;
	s21 =	sshll.u32 s6, $0x1;
	s3 =	sadd.s32 s19, s18  }
0xa2: {  	s7 =	simm.s32 $0x0;
	s20 =	sshll.u32 s5, $0x1;
	s5 =	sadd.s32 s21, s3  }
0xa3: {  	[timem:s7], [sflag:s22] =	dma.local [hbm:s5], s20  }
0xa4: {  	_ =	swait.ge [sflag:s22], s20  }
0xa5: {  	s4 =	ssub.s32 $0x0, s20;
	[sflag:s22] =	ssyncset.done $0x0  }
0xa6: {  	[sflag:s22] =	ssyncadd.s32 s4;
	_ =	sdelay $0x1  }
0xa7: {  	s23 =	simm.s32 $0x1B8B  }
0xa8: {  	_ =	swait.ge [sflag:s23], $0x1  }
0xa9: {  	[sflag:s23] =	ssyncset.done $0x0  }
0xaa: {  	s25 =	simm.s32 $0x1B8E;
	s24 =	sld [smem:$0x3FFE];
	[sflag:s23] =	ssyncadd.s32 $0xFFFFFFFF  }
0xab: {  	s26 =	simm.s32 $execute0_lowered;
	[smem:$0x3FD2] =	sst s25  }
0xac: {  	s5 =	sshll.u32 s26, $0x1;
	_ =	strace $0x80000046;
	[dreg:$0x1] =	wrdreg $0xFFFFFFFF  }
0xad: {  	s28 =	simm.s32 $_size_execute0_lowered;
	s3 =	sadd.s32 s3, s5;
	[dreg:$0x0] =	wrdreg $0x0  }
0xae: {  	s5 =	sshll.u32 s28, $0x1;
	[dreg:$0x2] =	wrdreg s3  }
0xaf: {  	[dreg:$0x3] =	wrdreg s5  }
0xb0: {  	[dreg:$0x4] =	wrdreg $0xC0  }
0xb1: {  	_ =	task [dreg:s7], $0x5FFFF  }
0xb2: {  	[dreg:$0x1] =	wrdreg $0xFFFFFFFF  }
0xb3: {  	[dreg:$0x0] =	wrdreg $0x60  }
0xb4: {  	[dreg:$0x2] =	wrdreg s24  }
0xb5: {  	[dreg:$0x3] =	wrdreg s16  }
0xb6: {  	[dreg:$0x4] =	wrdreg $0x9  }
0xb7: {  	_ =	task.clear_ibuf [dreg:s7], $0x5FFFF;
	_ =	strace $0x90000046  }
0xb8: {  	s29 =	simm.s32 $0x9;
	_ =	strace $0x80000048  }
0xb9: {  	_ =	swait.ge [sflag:s29], $0x1  }
0xba: {  	[sflag:s29] =	ssyncadd.s32 $0xFFFFFFFF  }
0xbb: {  	_ =	strace $0x90000048  }
0xbc: {  	_ =	sfence  }
0xbd: {  	s30 =	sld [smem:$0x0];
	_ =	sdelay $0x2  }
0xbe: {  	s31 =	sshll.u32 s1, $0xD;
	s1 =	sshrl.u32 s1, $0x2  }
0xbf: {  	s3 =	sand.u32 $0x4000, s31;
	s1 =	sadd.s32 s1, s30  }
0xc0: {  	s0 =	sor.u32 s3, s0;
	s1 =	sshll.u32 s1, $0x11  }
0xc1: {  	s0 =	sor.u32 s1, s0  }
0xc2: {  	s0 =	sadd.s32 $0x8F2B, s0  }
0xc3: {  	[sflag:s0] =	ssyncadd.remote.s32 $0x1  }
0xc4: {  	_ =	sfence.sel $0xFFFF  }
0xc5: {  	[dreg:$0x0] =	wrdreg $0xFFFFFFFF;
	(pc) =	sbr.abs _section_cstart, $3  }
0xc6: {  	[dreg:$0x1] =	wrdreg $0xFFFFFFFF  }
0xc7: {  	_ =	task.clear_ibuf [dreg:s7], $0x2FFFF;
	_ =	strace $0x9FFFFFFF  }
0xc8: {  	(tm) =	ssettm $0x7FFFFFFF  }
0xc9: {  	_ =	shalt  }
tec
execute0_lowered:
.L_overlay_start_1:
0x0: {  	(tag) =	ssettag $0x1  }
0x1: {  	s1 =	srdreg.scid  }
0x2: {  	s8 =	rddreg [dreg:$0x0];
	s0 =	stileid.u32;
	s22 =	sand.u32 $0x1, s1  }
0x3: {  	s21 =	rddreg [dreg:$0x1];
	s3 =	sshll.u32 s0, $0xD;
	s4 =	sshll.u32 s22, $0xC  }
0x4: {  	s2 =	simm.s32 $0x0;
	s1 =	rddreg [dreg:$0x2];
	s24 =	sor.u32 s4, s3  }
0x5: {  	[smem:$0x7FF] =	sst s2;
	s3 =	sshrl.u32 s24, $0x3  }
0x6: {  	_ =	strace $0x80000047;
	s4 =	sadd.s32 s21, s3;
	s3 =	simm.s32 $0x2  }
0x7: {  	[tilespmem:s2], [sflag:$0x2] =	stream.linear.gather [hbm4b:s4+s2], $0x200, $0x38;
	[tilespmem:$0x10200] =	vst v63  }
0x8: {  	_ =	swait.ge [sflag:s3], $0x200  }
0x9: {  	s6 =	simm.s32 $0x200;
	[sflag:s3] =	ssyncset.done $0x0  }
0xa: {  	s7 =	simm.s32 $0x1;
	s5 =	sadd.s32 $0x1600, s8;
	[sflag:s3] =	ssyncadd.s32 $0xFFFFFE00  }
0xb: {  	[tilespmem:s6], [sflag:$0x1] =	stream.indirect.gather [hbm4b:s5+s6], $0x80, s2, s6, $0xb8;
	[tilespmem:$0x10200] =	vst v63  }
0xc: {  	_ =	swait.ge [sflag:s7], $0x10000  }
0xd: {  	s23 =	sadd.s32 $0x41600, s8;
	s28 =	sshll.u32 s24, $0x4;
	[sflag:s7] =	ssyncset.done $0x0  }
0xe: {  	s8 =	sadd.s32 s23, s28;
	[sflag:s7] =	ssyncadd.s32 $0xFFFF0000  }
0xf: {  	[hbm4b:s8+s2] =	stream.linear.scatter [tilespmem:s6], [sflag:$0x2], $0x10000, $0x38;
	[tilespmem:$0x10200] =	vst v63  }
0x10: {  	s10 =	sor.u32 $0x200, s24;
	_ =	swait.ge [sflag:s3], $0x10000  }
0x11: {  	s9 =	sshrl.u32 s10, $0x3;
	[sflag:s3] =	ssyncset.done $0x0  }
0x12: {  	s9 =	sadd.s32 s21, s9;
	[sflag:s3] =	ssyncadd.s32 $0xFFFF0000  }
0x13: {  	[tilespmem:s2], [sflag:$0x2] =	stream.linear.gather [hbm4b:s9+s2], $0x200, $0x38;
	[tilespmem:$0x10200] =	vst v63  }
0x14: {  	_ =	swait.ge [sflag:s3], $0x200  }
0x15: {  	[sflag:s3] =	ssyncset.done $0x0  }
0x16: {  	[sflag:s3] =	ssyncadd.s32 $0xFFFFFE00  }
0x17: {  	[tilespmem:s6], [sflag:$0x1] =	stream.indirect.gather [hbm4b:s5+s6], $0x80, s2, s6, $0xb8;
	[tilespmem:$0x10200] =	vst v63  }
0x18: {  	_ =	swait.ge [sflag:s7], $0x10000  }
0x19: {  	s10 =	sshll.u32 s10, $0x4;
	[sflag:s7] =	ssyncset.done $0x0  }
0x1a: {  	s10 =	sadd.s32 s23, s10;
	[sflag:s7] =	ssyncadd.s32 $0xFFFF0000  }
0x1b: {  	[hbm4b:s10+s2] =	stream.linear.scatter [tilespmem:s6], [sflag:$0x2], $0x10000, $0x38;
	[tilespmem:$0x10200] =	vst v63  }
0x1c: {  	s12 =	sor.u32 $0x400, s24;
	_ =	swait.ge [sflag:s3], $0x10000  }
0x1d: {  	s11 =	sshrl.u32 s12, $0x3;
	[sflag:s3] =	ssyncset.done $0x0  }
0x1e: {  	s11 =	sadd.s32 s21, s11;
	[sflag:s3] =	ssyncadd.s32 $0xFFFF0000  }
0x1f: {  	[tilespmem:s2], [sflag:$0x2] =	stream.linear.gather [hbm4b:s11+s2], $0x200, $0x38;
	[tilespmem:$0x10200] =	vst v63  }
0x20: {  	_ =	swait.ge [sflag:s3], $0x200  }
0x21: {  	[sflag:s3] =	ssyncset.done $0x0  }
0x22: {  	[sflag:s3] =	ssyncadd.s32 $0xFFFFFE00  }
0x23: {  	[tilespmem:s6], [sflag:$0x1] =	stream.indirect.gather [hbm4b:s5+s6], $0x80, s2, s6, $0xb8;
	[tilespmem:$0x10200] =	vst v63  }
0x24: {  	_ =	swait.ge [sflag:s7], $0x10000  }
0x25: {  	s12 =	sshll.u32 s12, $0x4;
	[sflag:s7] =	ssyncset.done $0x0  }
0x26: {  	s12 =	sadd.s32 s23, s12;
	[sflag:s7] =	ssyncadd.s32 $0xFFFF0000  }
0x27: {  	[hbm4b:s12+s2] =	stream.linear.scatter [tilespmem:s6], [sflag:$0x2], $0x10000, $0x38;
	[tilespmem:$0x10200] =	vst v63  }
0x28: {  	s14 =	sor.u32 $0x600, s24;
	_ =	swait.ge [sflag:s3], $0x10000  }
0x29: {  	s13 =	sshrl.u32 s14, $0x3;
	[sflag:s3] =	ssyncset.done $0x0  }
0x2a: {  	s13 =	sadd.s32 s21, s13;
	[sflag:s3] =	ssyncadd.s32 $0xFFFF0000  }
0x2b: {  	[tilespmem:s2], [sflag:$0x2] =	stream.linear.gather [hbm4b:s13+s2], $0x200, $0x38;
	[tilespmem:$0x10200] =	vst v63  }
0x2c: {  	_ =	swait.ge [sflag:s3], $0x200  }
0x2d: {  	[sflag:s3] =	ssyncset.done $0x0  }
0x2e: {  	[sflag:s3] =	ssyncadd.s32 $0xFFFFFE00  }
0x2f: {  	[tilespmem:s6], [sflag:$0x1] =	stream.indirect.gather [hbm4b:s5+s6], $0x80, s2, s6, $0xb8;
	[tilespmem:$0x10200] =	vst v63  }
0x30: {  	_ =	swait.ge [sflag:s7], $0x10000  }
0x31: {  	s14 =	sshll.u32 s14, $0x4;
	[sflag:s7] =	ssyncset.done $0x0  }
0x32: {  	s14 =	sadd.s32 s23, s14;
	[sflag:s7] =	ssyncadd.s32 $0xFFFF0000  }
0x33: {  	[hbm4b:s14+s2] =	stream.linear.scatter [tilespmem:s6], [sflag:$0x2], $0x10000, $0x38;
	[tilespmem:$0x10200] =	vst v63  }
0x34: {  	s16 =	sor.u32 $0x800, s24;
	_ =	swait.ge [sflag:s3], $0x10000  }
0x35: {  	s15 =	sshrl.u32 s16, $0x3;
	[sflag:s3] =	ssyncset.done $0x0  }
0x36: {  	s15 =	sadd.s32 s21, s15;
	[sflag:s3] =	ssyncadd.s32 $0xFFFF0000  }
0x37: {  	[tilespmem:s2], [sflag:$0x2] =	stream.linear.gather [hbm4b:s15+s2], $0x200, $0x38;
	[tilespmem:$0x10200] =	vst v63  }
0x38: {  	_ =	swait.ge [sflag:s3], $0x200  }
0x39: {  	[sflag:s3] =	ssyncset.done $0x0  }
0x3a: {  	[sflag:s3] =	ssyncadd.s32 $0xFFFFFE00  }
0x3b: {  	[tilespmem:s6], [sflag:$0x1] =	stream.indirect.gather [hbm4b:s5+s6], $0x80, s2, s6, $0xb8;
	[tilespmem:$0x10200] =	vst v63  }
0x3c: {  	_ =	swait.ge [sflag:s7], $0x10000  }
0x3d: {  	s16 =	sshll.u32 s16, $0x4;
	[sflag:s7] =	ssyncset.done $0x0  }
0x3e: {  	s16 =	sadd.s32 s23, s16;
	[sflag:s7] =	ssyncadd.s32 $0xFFFF0000  }
0x3f: {  	[hbm4b:s16+s2] =	stream.linear.scatter [tilespmem:s6], [sflag:$0x2], $0x10000, $0x38;
	[tilespmem:$0x10200] =	vst v63  }
0x40: {  	s18 =	sor.u32 $0xA00, s24;
	_ =	swait.ge [sflag:s3], $0x10000  }
0x41: {  	s17 =	sshrl.u32 s18, $0x3;
	[sflag:s3] =	ssyncset.done $0x0  }
0x42: {  	s17 =	sadd.s32 s21, s17;
	[sflag:s3] =	ssyncadd.s32 $0xFFFF0000  }
0x43: {  	[tilespmem:s2], [sflag:$0x2] =	stream.linear.gather [hbm4b:s17+s2], $0x200, $0x38;
	[tilespmem:$0x10200] =	vst v63  }
0x44: {  	_ =	swait.ge [sflag:s3], $0x200  }
0x45: {  	[sflag:s3] =	ssyncset.done $0x0  }
0x46: {  	[sflag:s3] =	ssyncadd.s32 $0xFFFFFE00  }
0x47: {  	[tilespmem:s6], [sflag:$0x1] =	stream.indirect.gather [hbm4b:s5+s6], $0x80, s2, s6, $0xb8;
	[tilespmem:$0x10200] =	vst v63  }
0x48: {  	_ =	swait.ge [sflag:s7], $0x10000  }
0x49: {  	s18 =	sshll.u32 s18, $0x4;
	[sflag:s7] =	ssyncset.done $0x0  }
0x4a: {  	s18 =	sadd.s32 s23, s18;
	[sflag:s7] =	ssyncadd.s32 $0xFFFF0000  }
0x4b: {  	[hbm4b:s18+s2] =	stream.linear.scatter [tilespmem:s6], [sflag:$0x2], $0x10000, $0x38;
	[tilespmem:$0x10200] =	vst v63  }
0x4c: {  	s20 =	sor.u32 $0xC00, s24;
	_ =	swait.ge [sflag:s3], $0x10000  }
0x4d: {  	s19 =	sshrl.u32 s20, $0x3;
	[sflag:s3] =	ssyncset.done $0x0  }
0x4e: {  	s19 =	sadd.s32 s21, s19;
	[sflag:s3] =	ssyncadd.s32 $0xFFFF0000  }
0x4f: {  	[tilespmem:s2], [sflag:$0x2] =	stream.linear.gather [hbm4b:s19+s2], $0x200, $0x38;
	[tilespmem:$0x10200] =	vst v63  }
0x50: {  	_ =	swait.ge [sflag:s3], $0x200  }
0x51: {  	[sflag:s3] =	ssyncset.done $0x0  }
0x52: {  	[sflag:s3] =	ssyncadd.s32 $0xFFFFFE00  }
0x53: {  	[tilespmem:s6], [sflag:$0x1] =	stream.indirect.gather [hbm4b:s5+s6], $0x80, s2, s6, $0xb8;
	[tilespmem:$0x10200] =	vst v63  }
0x54: {  	_ =	swait.ge [sflag:s7], $0x10000  }
0x55: {  	s20 =	sshll.u32 s20, $0x4;
	[sflag:s7] =	ssyncset.done $0x0  }
0x56: {  	s20 =	sadd.s32 s23, s20;
	[sflag:s7] =	ssyncadd.s32 $0xFFFF0000  }
0x57: {  	[hbm4b:s20+s2] =	stream.linear.scatter [tilespmem:s6], [sflag:$0x2], $0x10000, $0x38;
	[tilespmem:$0x10200] =	vst v63  }
0x58: {  	s24 =	sor.u32 $0xE00, s24;
	_ =	swait.ge [sflag:s3], $0x10000  }
0x59: {  	s25 =	sshrl.u32 s24, $0x3;
	[sflag:s3] =	ssyncset.done $0x0  }
0x5a: {  	s22 =	ssub.s32 $0x2, s22;
	s21 =	sadd.s32 s21, s25;
	[sflag:s3] =	ssyncadd.s32 $0xFFFF0000  }
0x5b: {  	[tilespmem:s2], [sflag:$0x2] =	stream.linear.gather [hbm4b:s21+s2], $0x200, $0x38;
	[tilespmem:$0x10200] =	vst v63  }
0x5c: {  	s29 =	sshrl.u32 s22, $0x1;
	_ =	swait.ge [sflag:s3], $0x200  }
0x5d: {  	s25 =	ssub.s32 s22, s29;
	[sflag:s3] =	ssyncset.done $0x0  }
0x5e: {  	s31 =	smax.u32 s25, $0x1;
	[sflag:s3] =	ssyncadd.s32 $0xFFFFFE00  }
0x5f: {  	[tilespmem:s6], [sflag:$0x1] =	stream.indirect.gather [hbm4b:s5+s6], $0x80, s2, s6, $0xb8;
	[tilespmem:$0x10200] =	vst v63  }
0x60: {  	p0 =	sne.s32 s31, $0x1;
	_ =	swait.ge [sflag:s7], $0x10000  }
.Ltmp0:
0x61: {  	s30 =	sshll.u32 s24, $0x4;
	[sflag:s7] =	ssyncset.done $0x0;
	(pc) =	sbr.rel @!p0 .LBB2_2-.Ltmp0, $4  }
0x62: {  	s22 =	sadd.s32 s23, s30;
	[sflag:s7] =	ssyncadd.s32 $0xFFFF0000  }
0x63: {  	[hbm4b:s22+s2] =	stream.linear.scatter [tilespmem:s6], [sflag:$0x2], $0x10000, $0x38;
	[tilespmem:$0x10200] =	vst v63  }
0x64: {  	_ =	swait.ge [sflag:s3], $0x10000  }
0x65: {  	s23 =	sadd.s32 $0xFFFFFFFF, s31;
	[sflag:s3] =	ssyncset.done $0x0  }
.LBB2_1:
0x66: {  	p0 =	sne.s32 s23, $0x1;
	s23 =	sadd.s32 $0xFFFFFFFF, s23;
	[sflag:s3] =	ssyncadd.s32 $0xFFFF0000  }
0x67: {  	[tilespmem:s2], [sflag:$0x2] =	stream.linear.gather [hbm4b:s4+s2], $0x200, $0x38;
	[tilespmem:$0x10200] =	vst v63  }
0x68: {  	_ =	swait.ge [sflag:s3], $0x200  }
0x69: {  	[sflag:s3] =	ssyncset.done $0x0  }
0x6a: {  	[sflag:s3] =	ssyncadd.s32 $0xFFFFFE00  }
0x6b: {  	[tilespmem:s6], [sflag:$0x1] =	stream.indirect.gather [hbm4b:s5+s6], $0x80, s2, s6, $0xb8;
	[tilespmem:$0x10200] =	vst v63  }
0x6c: {  	_ =	swait.ge [sflag:s7], $0x10000  }
0x6d: {  	[sflag:s7] =	ssyncset.done $0x0  }
0x6e: {  	[sflag:s7] =	ssyncadd.s32 $0xFFFF0000  }
0x6f: {  	[hbm4b:s8+s2] =	stream.linear.scatter [tilespmem:s6], [sflag:$0x2], $0x10000, $0x38;
	[tilespmem:$0x10200] =	vst v63  }
0x70: {  	_ =	swait.ge [sflag:s3], $0x10000  }
0x71: {  	[sflag:s3] =	ssyncset.done $0x0  }
0x72: {  	[sflag:s3] =	ssyncadd.s32 $0xFFFF0000  }
0x73: {  	[tilespmem:s2], [sflag:$0x2] =	stream.linear.gather [hbm4b:s9+s2], $0x200, $0x38;
	[tilespmem:$0x10200] =	vst v63  }
0x74: {  	_ =	swait.ge [sflag:s3], $0x200  }
0x75: {  	[sflag:s3] =	ssyncset.done $0x0  }
0x76: {  	[sflag:s3] =	ssyncadd.s32 $0xFFFFFE00  }
0x77: {  	[tilespmem:s6], [sflag:$0x1] =	stream.indirect.gather [hbm4b:s5+s6], $0x80, s2, s6, $0xb8;
	[tilespmem:$0x10200] =	vst v63  }
0x78: {  	_ =	swait.ge [sflag:s7], $0x10000  }
0x79: {  	[sflag:s7] =	ssyncset.done $0x0  }
0x7a: {  	[sflag:s7] =	ssyncadd.s32 $0xFFFF0000  }
0x7b: {  	[hbm4b:s10+s2] =	stream.linear.scatter [tilespmem:s6], [sflag:$0x2], $0x10000, $0x38;
	[tilespmem:$0x10200] =	vst v63  }
0x7c: {  	_ =	swait.ge [sflag:s3], $0x10000  }
0x7d: {  	[sflag:s3] =	ssyncset.done $0x0  }
0x7e: {  	[sflag:s3] =	ssyncadd.s32 $0xFFFF0000  }
0x7f: {  	[tilespmem:s2], [sflag:$0x2] =	stream.linear.gather [hbm4b:s11+s2], $0x200, $0x38;
	[tilespmem:$0x10200] =	vst v63  }
0x80: {  	_ =	swait.ge [sflag:s3], $0x200  }
0x81: {  	[sflag:s3] =	ssyncset.done $0x0  }
0x82: {  	[sflag:s3] =	ssyncadd.s32 $0xFFFFFE00  }
0x83: {  	[tilespmem:s6], [sflag:$0x1] =	stream.indirect.gather [hbm4b:s5+s6], $0x80, s2, s6, $0xb8;
	[tilespmem:$0x10200] =	vst v63  }
0x84: {  	_ =	swait.ge [sflag:s7], $0x10000  }
0x85: {  	[sflag:s7] =	ssyncset.done $0x0  }
0x86: {  	[sflag:s7] =	ssyncadd.s32 $0xFFFF0000  }
0x87: {  	[hbm4b:s12+s2] =	stream.linear.scatter [tilespmem:s6], [sflag:$0x2], $0x10000, $0x38;
	[tilespmem:$0x10200] =	vst v63  }
0x88: {  	_ =	swait.ge [sflag:s3], $0x10000  }
0x89: {  	[sflag:s3] =	ssyncset.done $0x0  }
0x8a: {  	[sflag:s3] =	ssyncadd.s32 $0xFFFF0000  }
0x8b: {  	[tilespmem:s2], [sflag:$0x2] =	stream.linear.gather [hbm4b:s13+s2], $0x200, $0x38;
	[tilespmem:$0x10200] =	vst v63  }
0x8c: {  	_ =	swait.ge [sflag:s3], $0x200  }
0x8d: {  	[sflag:s3] =	ssyncset.done $0x0  }
0x8e: {  	[sflag:s3] =	ssyncadd.s32 $0xFFFFFE00  }
0x8f: {  	[tilespmem:s6], [sflag:$0x1] =	stream.indirect.gather [hbm4b:s5+s6], $0x80, s2, s6, $0xb8;
	[tilespmem:$0x10200] =	vst v63  }
0x90: {  	_ =	swait.ge [sflag:s7], $0x10000  }
0x91: {  	[sflag:s7] =	ssyncset.done $0x0  }
0x92: {  	[sflag:s7] =	ssyncadd.s32 $0xFFFF0000  }
0x93: {  	[hbm4b:s14+s2] =	stream.linear.scatter [tilespmem:s6], [sflag:$0x2], $0x10000, $0x38;
	[tilespmem:$0x10200] =	vst v63  }
0x94: {  	_ =	swait.ge [sflag:s3], $0x10000  }
0x95: {  	[sflag:s3] =	ssyncset.done $0x0  }
0x96: {  	[sflag:s3] =	ssyncadd.s32 $0xFFFF0000  }
0x97: {  	[tilespmem:s2], [sflag:$0x2] =	stream.linear.gather [hbm4b:s15+s2], $0x200, $0x38;
	[tilespmem:$0x10200] =	vst v63  }
0x98: {  	_ =	swait.ge [sflag:s3], $0x200  }
0x99: {  	[sflag:s3] =	ssyncset.done $0x0  }
0x9a: {  	[sflag:s3] =	ssyncadd.s32 $0xFFFFFE00  }
0x9b: {  	[tilespmem:s6], [sflag:$0x1] =	stream.indirect.gather [hbm4b:s5+s6], $0x80, s2, s6, $0xb8;
	[tilespmem:$0x10200] =	vst v63  }
0x9c: {  	_ =	swait.ge [sflag:s7], $0x10000  }
0x9d: {  	[sflag:s7] =	ssyncset.done $0x0  }
0x9e: {  	[sflag:s7] =	ssyncadd.s32 $0xFFFF0000  }
0x9f: {  	[hbm4b:s16+s2] =	stream.linear.scatter [tilespmem:s6], [sflag:$0x2], $0x10000, $0x38;
	[tilespmem:$0x10200] =	vst v63  }
0xa0: {  	_ =	swait.ge [sflag:s3], $0x10000  }
0xa1: {  	[sflag:s3] =	ssyncset.done $0x0  }
0xa2: {  	[sflag:s3] =	ssyncadd.s32 $0xFFFF0000  }
0xa3: {  	[tilespmem:s2], [sflag:$0x2] =	stream.linear.gather [hbm4b:s17+s2], $0x200, $0x38;
	[tilespmem:$0x10200] =	vst v63  }
0xa4: {  	_ =	swait.ge [sflag:s3], $0x200  }
0xa5: {  	[sflag:s3] =	ssyncset.done $0x0  }
0xa6: {  	[sflag:s3] =	ssyncadd.s32 $0xFFFFFE00  }
0xa7: {  	[tilespmem:s6], [sflag:$0x1] =	stream.indirect.gather [hbm4b:s5+s6], $0x80, s2, s6, $0xb8;
	[tilespmem:$0x10200] =	vst v63  }
0xa8: {  	_ =	swait.ge [sflag:s7], $0x10000  }
0xa9: {  	[sflag:s7] =	ssyncset.done $0x0  }
0xaa: {  	[sflag:s7] =	ssyncadd.s32 $0xFFFF0000  }
0xab: {  	[hbm4b:s18+s2] =	stream.linear.scatter [tilespmem:s6], [sflag:$0x2], $0x10000, $0x38;
	[tilespmem:$0x10200] =	vst v63  }
0xac: {  	_ =	swait.ge [sflag:s3], $0x10000  }
0xad: {  	[sflag:s3] =	ssyncset.done $0x0  }
0xae: {  	[sflag:s3] =	ssyncadd.s32 $0xFFFF0000  }
0xaf: {  	[tilespmem:s2], [sflag:$0x2] =	stream.linear.gather [hbm4b:s19+s2], $0x200, $0x38;
	[tilespmem:$0x10200] =	vst v63  }
0xb0: {  	_ =	swait.ge [sflag:s3], $0x200  }
0xb1: {  	[sflag:s3] =	ssyncset.done $0x0  }
0xb2: {  	[sflag:s3] =	ssyncadd.s32 $0xFFFFFE00  }
0xb3: {  	[tilespmem:s6], [sflag:$0x1] =	stream.indirect.gather [hbm4b:s5+s6], $0x80, s2, s6, $0xb8;
	[tilespmem:$0x10200] =	vst v63  }
0xb4: {  	_ =	swait.ge [sflag:s7], $0x10000  }
0xb5: {  	[sflag:s7] =	ssyncset.done $0x0  }
0xb6: {  	[sflag:s7] =	ssyncadd.s32 $0xFFFF0000  }
0xb7: {  	[hbm4b:s20+s2] =	stream.linear.scatter [tilespmem:s6], [sflag:$0x2], $0x10000, $0x38;
	[tilespmem:$0x10200] =	vst v63  }
0xb8: {  	_ =	swait.ge [sflag:s3], $0x10000  }
0xb9: {  	[sflag:s3] =	ssyncset.done $0x0  }
0xba: {  	[sflag:s3] =	ssyncadd.s32 $0xFFFF0000  }
0xbb: {  	[tilespmem:s2], [sflag:$0x2] =	stream.linear.gather [hbm4b:s21+s2], $0x200, $0x38;
	[tilespmem:$0x10200] =	vst v63  }
0xbc: {  	_ =	swait.ge [sflag:s3], $0x200  }
0xbd: {  	[sflag:s3] =	ssyncset.done $0x0  }
0xbe: {  	[sflag:s3] =	ssyncadd.s32 $0xFFFFFE00  }
0xbf: {  	[tilespmem:s6], [sflag:$0x1] =	stream.indirect.gather [hbm4b:s5+s6], $0x80, s2, s6, $0xb8;
	[tilespmem:$0x10200] =	vst v63  }
0xc0: {  	_ =	swait.ge [sflag:s7], $0x10000  }
.Ltmp1:
0xc1: {  	[sflag:s7] =	ssyncset.done $0x0;
	(pc) =	sbr.rel @p0 .LBB2_1-.Ltmp1, $4  }
0xc2: {  	[sflag:s7] =	ssyncadd.s32 $0xFFFF0000  }
0xc3: {  	[hbm4b:s22+s2] =	stream.linear.scatter [tilespmem:s6], [sflag:$0x2], $0x10000, $0x38;
	[tilespmem:$0x10200] =	vst v63  }
0xc4: {  	_ =	swait.ge [sflag:s3], $0x10000  }
0xc5: {  	[sflag:s3] =	ssyncset.done $0x0  }
.LBB2_2:
0xc6: {  	[sflag:s3] =	ssyncadd.s32 $0xFFFF0000  }
0xc7: {  	_ =	sfence.sel $0x180000  }
0xc8: {  	[bflag:$0x0] =	sbarrier.arrive $0xFFFF  }
0xc9: {  	p0 =	sne.s32 s0, $0x0;
	_ =	strace $0x90000047  }
0xca: {  	s0 =	sadd.s32 @!p0 $0x100000, s1;
	[bflag:$0x2] =	sbarrier.arrive $0xFFFF  }
0xcb: {  	[sflag:s0] =	ssyncadd.tile.s32 @!p0 $0x1;
	_ =	shalt  }
.Lfunc_end2:
_tile_overlayer_lowered:
.L_overlay_start_2:
0xcc: {  	(tag) =	ssettag $0x2  }
0xcd: {  	s0 =	rddreg [dreg:$0x0];
	s2 =	stileid.u32  }
0xce: {  	s1 =	rddreg [dreg:$0x1];
	p0 =	sne.s32 s2, $0x0  }
0xcf: {  	s3 =	rddreg [dreg:$0x2];
	[bflag:$0x3] =	sbarrier.arrive $0xFFFF;
	s2 =	simm.s32 @!p0 $0x1C02  }
0xd0: {  	[timem:s3], [sflag:s2] =	dma.local @!p0 [hbm:s0], s1  }
0xd1: {  	s0 =	simm.s32 @!p0 $0x2  }
0xd2: {  	_ =	swait.ge @!p0 [sflag:s0], s1  }
0xd3: {  	s1 =	ssub.s32 @!p0 $0x0, s1;
	[sflag:s0] =	ssyncset.done @!p0 $0x0  }
0xd4: {  	[sflag:s0] =	ssyncadd.s32 @!p0 s1  }
0xd5: {  	[bflag:$0x3] =	sbarrier.arrive $0xFFFF  }
0xd6: {  	_ =	shalt  }

</sc_bundles>
